<compile_context>
chip_gen: v7x
topology: tpu7x:2x2x1
jax: 0.10.2.dev20260603
libtpu: 0.0.44.dev20260713+nightly
codegen_flags: <defaults>
</compile_context>

<pallas_src>
import functools
import math

import jax
import jax.numpy as jnp
from jax import lax
from jax.experimental import pallas as pl
from jax.experimental.pallas import tpu as pltpu
from jax.experimental.pallas import tpu_sc as plsc

N = 4096
W = 64
C = 3
NB = 4224
QSTR = C * NB
BINS = 4 * QSTR
NCHUNK = N // 16
EPS = 1e-7
L05 = float(math.log(0.5 + EPS))


def _tc1_body(x_ref, t_ref, vals_ref, nbs_ref, flg_ref, scal_ref):
    x = x_ref[...]
    t = t_ref[...]
    x0, x1, x2 = x[0:1], x[1:2], x[2:3]
    best = x0
    pm = jnp.zeros_like(t)
    upd = x1 > best
    pm = jnp.where(upd, 1, pm)
    best = jnp.where(upd, x1, best)
    upd = x2 > best
    pm = jnp.where(upd, 2, pm)

    lane = lax.broadcasted_iota(jnp.int32, (1, N), 1)
    col = lax.rem(lane, W)
    zcol = jnp.zeros((1, 1), jnp.int32)

    for i, v in ((0, 1), (1, 2)):
        maskv = (pm == v).astype(jnp.int32)
        shifts = (
            (jnp.concatenate([zcol.repeat(W, 1), maskv[:, :-W]], 1),
             lane >= W),
            (jnp.concatenate([maskv[:, W:], zcol.repeat(W, 1)], 1),
             lane < N - W),
            (jnp.concatenate([zcol, maskv[:, :-1]], 1), col > 0),
            (jnp.concatenate([maskv[:, 1:], zcol], 1), col < W - 1),
        )
        nbs_ref[i:i + 1, :] = jnp.where(maskv > 0, 16, 0)
        for d, (nm, valid) in enumerate(shifts):
            inval = jnp.logical_not(valid & (nm > 0) & (maskv > 0))
            flg_ref[4 * i + d:4 * i + d + 1, :] = jnp.where(inval, 0x1000, 0)

    for i, xv in ((0, x1), (1, x2)):
        s = 1.0 / (1.0 + jnp.exp(-xv))
        vals_ref[3 * i + 0:3 * i + 1, :] = s
        vals_ref[3 * i + 1:3 * i + 2, :] = jnp.log(s + EPS)
        vals_ref[3 * i + 2:3 * i + 3, :] = jnp.log(1.0 - s + EPS)

    bp = jnp.where(pm > 0, x1, 0.0)
    p = 1.0 / (1.0 + jnp.exp(-bp))
    tb = (t > 0).astype(jnp.float32)
    bce = -jnp.sum(tb * jnp.log(p + EPS) + (1.0 - tb) * jnp.log(1.0 - p + EPS)) / N
    inter = jnp.sum(p * tb)
    dice = 1.0 - (2.0 * inter + 1.0) / (jnp.sum(p) + jnp.sum(tb) + 1.0)
    res0 = bce + dice

    t_counts = [jnp.sum((t == j).astype(jnp.float32)) for j in range(C)]
    has1 = jnp.sum((pm == 1).astype(jnp.float32))
    has2 = jnp.sum((pm == 2).astype(jnp.float32))

    sl = lax.broadcasted_iota(jnp.int32, (1, 128), 1)
    vec = jnp.where(sl == 0, res0, 0.0)
    for j in range(C):
        vec = vec + jnp.where(sl == 1 + j, t_counts[j], 0.0)
    vec = vec + jnp.where(sl == 4, has1, 0.0) + jnp.where(sl == 5, has2, 0.0)
    scal_ref[...] = vec


_tc1 = pl.pallas_call(
    _tc1_body,
    out_shape=(
        jax.ShapeDtypeStruct((6, N), jnp.float32),
        jax.ShapeDtypeStruct((2, N), jnp.int32),
        jax.ShapeDtypeStruct((8, N), jnp.int32),
        jax.ShapeDtypeStruct((1, 128), jnp.float32),
    ),
)


PLANE = C * NB


def _sc_body(tgt_hbm, vals_hbm, nbs_hbm, flg_hbm, iota_hbm, zeros_hbm,
             bins_hbm, lab_v, flg_v, tc_v, nbm_v, val_v, binsq_v,
             chv_v, flags_v, shared_lab, shared_flags, sem, sem2):
    cid = lax.axis_index("c")
    sid = lax.axis_index("s")
    is_scatter = sid < 4

    c1 = pltpu.async_copy(iota_hbm, lab_v, sem)
    fcopies = [
        pltpu.async_copy(
            flg_hbm.at[pl.ds(cid * 4 * N + d * N + sid * 256, 256)],
            flg_v.at[pl.ds(d * 256, 256)], sem)
        for d in range(4)
    ]
    voff = cid * 3 * N + jnp.maximum(sid - 1, 0) * N

    @pl.when(is_scatter)
    def _prefetch():
        pltpu.async_copy(tgt_hbm, tc_v, sem2)
        pltpu.async_copy(nbs_hbm.at[pl.ds(cid * N, N)], nbm_v, sem2)
        pltpu.async_copy(vals_hbm.at[pl.ds(voff, N)], val_v, sem2)
        pltpu.async_copy(zeros_hbm, binsq_v, sem2)

    c1.wait()
    for fc in fcopies:
        fc.wait()

    def chunk_step(k, chv):
        c = sid * 16 + k
        base = W + c * 16
        l0 = lab_v[pl.ds(base, 16)]
        l = l0
        for d, off in ((0, -W), (1, W), (2, -1), (3, 1)):
            ln = lab_v[pl.ds(base + off, 16)]
            big = flg_v[pl.ds(d * 256 + k * 16, 16)]
            l = jnp.minimum(l, ln | big)
        l = plsc.load_gather(lab_v, [l + W])
        lab_v[pl.ds(base, 16)] = l
        return chv | (l != l0).astype(jnp.int32)

    def hook(i, carry):
        ch, rev = carry
        k = jnp.where(rev > 0, 15 - i, i)
        return (chunk_step(k, ch), rev)

    zero16 = jnp.zeros((16,), jnp.int32)

    def cc_round(carry):
        _, rnd = carry
        ch, _ = lax.fori_loop(0, 16, hook, (zero16, jnp.int32(0)))
        ch, _ = lax.fori_loop(0, 16, hook, (ch, jnp.int32(1)))
        chv_v[...] = ch
        pltpu.sync_copy(lab_v.at[pl.ds(W + sid * 256, 256)],
                        shared_lab.at[pl.ds(sid * 256, 256)])
        pltpu.sync_copy(chv_v, shared_flags.at[pl.ds(sid * 16, 16)])
        plsc.subcore_barrier()
        pltpu.sync_copy(shared_lab, lab_v.at[pl.ds(W, N)])
        pltpu.sync_copy(shared_flags, flags_v)
        acc = flags_v[pl.ds(0, 16)]
        for b in range(1, 16):
            acc = acc | flags_v[pl.ds(b * 16, 16)]
        plsc.subcore_barrier()
        return (jnp.max(acc), rnd + 1)

    lax.while_loop(lambda c: c[0] > 0, cc_round,
                   (jnp.int32(1), jnp.int32(0)))

    @pl.when(is_scatter)
    def _scatter():
        d1 = pltpu.make_async_copy(tgt_hbm, tc_v, sem2)
        d2 = pltpu.make_async_copy(nbs_hbm.at[pl.ds(cid * N, N)], nbm_v, sem2)
        d3 = pltpu.make_async_copy(vals_hbm.at[pl.ds(voff, N)], val_v, sem2)
        d4 = pltpu.make_async_copy(zeros_hbm, binsq_v, sem2)
        d1.wait()
        d2.wait()
        d3.wait()
        d4.wait()
        ones = jnp.ones((16,), jnp.float32)
        use_ones = sid == 0

        def scatter(c, carry):
            for u in range(2):
                cc = 2 * c + u
                base = cc * 16
                l = lab_v[pl.ds(W + base, 16)]
                vb = nbm_v[pl.ds(base, 16)]
                tc = tc_v[pl.ds(base, 16)]
                w = jnp.where(use_ones, ones, val_v[pl.ds(base, 16)])
                lf = jnp.where((vb & 16) > 0, l, -1)
                b0 = tc * NB + (lf + 1)
                plsc.addupdate_scatter(binsq_v, [b0], w)
            return carry

        lax.fori_loop(0, NCHUNK // 2, scatter, 0)
        pltpu.sync_copy(binsq_v,
                        bins_hbm.at[pl.ds((cid * 4 + sid) * PLANE, PLANE)])


@functools.cache
def _make_sc():
  return pl.kernel(
    _sc_body,
    out_type=jax.ShapeDtypeStruct((2 * BINS,), jnp.float32),
    mesh=plsc.VectorSubcoreMesh(core_axis_name="c", subcore_axis_name="s"),
    compiler_params=pltpu.CompilerParams(needs_layout_passes=False),
    scratch_types=[
        pltpu.VMEM((N + 2 * W,), jnp.int32),
        pltpu.VMEM((4 * 256,), jnp.int32),
        pltpu.VMEM((N,), jnp.int32),
        pltpu.VMEM((N,), jnp.int32),
        pltpu.VMEM((N,), jnp.float32),
        pltpu.VMEM((PLANE,), jnp.float32),
        pltpu.VMEM((16,), jnp.int32),
        pltpu.VMEM((256,), jnp.int32),
        pltpu.VMEM_SHARED((N,), jnp.int32),
        pltpu.VMEM_SHARED((256,), jnp.int32),
        pltpu.SemaphoreType.DMA,
        pltpu.SemaphoreType.DMA,
    ],
  )


def _tc2_body(bins_ref, scal_ref, out_ref):
    res = scal_ref[0, 0]
    t_tot = [scal_ref[0, 1], scal_ref[0, 2], scal_ref[0, 3]]
    has_v = [scal_ref[0, 4] > 0, scal_ref[0, 5] > 0]
    tp = [t_tot[j] > 0 for j in range(C)]
    lin = lax.broadcasted_iota(jnp.int32, (1, NB), 1)
    inf = jnp.float32(jnp.inf)

    for v in range(2):
        def row(q, j, v=v):
            return bins_ref[v:v + 1, pl.ds((q * C + j) * NB, NB)]
        cnt = [row(0, j) for j in range(C)]
        av = [row(1, j) for j in range(C)]
        gv = [row(2, j) for j in range(C)]
        hv = [row(3, j) for j in range(C)]
        n_c = cnt[0] + cnt[1] + cnt[2]
        s_c = av[0] + av[1] + av[2]
        h_c = hv[0] + hv[1] + hv[2]
        pres = n_c > 0
        sump = s_c + 0.5 * (N - n_c)
        lmat = []
        for j in range(C):
            bce_sum = gv[j] + (h_c - hv[j]) + (N - n_c) * L05
            inter = av[j] + 0.5 * (t_tot[j] - cnt[j])
            lmat.append(-bce_sum / N + 1.0
                        - (2.0 * inter + 1.0) / (sump + t_tot[j] + 1.0))

        tp_v = list(tp)
        res_v = res
        for k in range(C):
            tpf = [jnp.where(b, 1.0, 0.0) for b in tp_v]
            n_t = tpf[0] + tpf[1] + tpf[2]
            active = jnp.float32(k) < n_t
            c0 = tpf[0]
            c1 = c0 + tpf[1]
            c2 = c1 + tpf[2]
            sel = [tp_v[0] & (c0 - 1.0 == k), tp_v[1] & (c1 - 1.0 == k),
                   tp_v[2] & (c2 - 1.0 == k)]
            lcol = jnp.where(sel[0], lmat[0],
                             jnp.where(sel[1], lmat[1],
                                       jnp.where(sel[2], lmat[2], lmat[0])))
            masked = jnp.where(pres, lcol, inf)
            mval = jnp.min(masked)
            idx = jnp.min(jnp.where(masked == mval, lin, jnp.int32(2**30)))
            matched = active & (mval < 1e37)
            res_v = res_v + jnp.where(matched, mval, 0.0)
            pres = pres & jnp.logical_not(matched & (lin == idx))
            tp_v = [tp_v[j] & jnp.logical_not(matched & sel[j])
                    for j in range(C)]
        res_v = res_v + jnp.sum(jnp.where(pres, 1.0, 0.0))
        res = jnp.where(has_v[v], res_v, res)
        tp = [jnp.where(has_v[v], tp_v[j], tp[j]) for j in range(C)]

    total = res
    for j in range(C):
        total = total + jnp.where(tp[j], 1.0, 0.0)
    out_ref[...] = jnp.reshape(total, (1, 1))


_tc2 = pl.pallas_call(
    _tc2_body,
    out_shape=jax.ShapeDtypeStruct((1, 1), jnp.float32),
)


def kernel(pred_out, target_mask):
    x = pred_out.reshape(C, N)
    t = target_mask.reshape(1, N)
    vals, nbs, flg, scal = _tc1(x, t)
    guard = jnp.full((W,), 0x7FFF, jnp.int32)
    lab_init = jnp.concatenate([guard, jnp.arange(N, dtype=jnp.int32), guard])
    bins = _make_sc()(
        t.reshape(N), vals.reshape(6 * N), nbs.reshape(2 * N),
        flg.reshape(8 * N), lab_init, jnp.zeros((PLANE,), jnp.float32))
    out = _tc2(bins.reshape(2, BINS), scal)
    return out.reshape(())

# --- scband reference (transcript-rebuilt; emitter-appended) ---
"""Pipeline reference for scband-connected-loss-83760452206646 (READ-ONLY COPY).

The authoritative reference and input builder live on the scoring server;
editing this copy changes nothing except your own understanding.
"""

import jax, jax.numpy as jnp
import numpy as np


def _connected_components(mask):
    mask = np.asarray(mask)
    B, H, W = mask.shape
    labels = np.zeros((B, H, W), dtype=np.int64)
    for b in range(B):
        nxt = 1
        m = mask[b]
        lab = labels[b]
        for i in range(H):
            for j in range(W):
                if m[i, j] and lab[i, j] == 0:
                    lab[i, j] = nxt
                    stack = [(i, j)]
                    while stack:
                        y, x = stack.pop()
                        for dy, dx in ((1, 0), (-1, 0), (0, 1), (0, -1)):
                            ny, nx2 = y + dy, x + dx
                            if 0 <= ny < H and 0 <= nx2 < W and m[ny, nx2] and lab[ny, nx2] == 0:
                                lab[ny, nx2] = nxt
                                stack.append((ny, nx2))
                    nxt += 1
    return labels


def _bce_dice(pred, target):
    p = jax.nn.sigmoid(pred)
    eps = 1e-7
    bce = -jnp.mean(target * jnp.log(p + eps) + (1.0 - target) * jnp.log(1.0 - p + eps))
    inter = jnp.sum(p * target)
    dice = 1.0 - (2.0 * inter + 1.0) / (jnp.sum(p) + jnp.sum(target) + 1.0)
    return bce + dice


def _cc_min_labels(mask):
    B, H, W = mask.shape
    sentinel = H * W
    idx = jnp.arange(H * W).reshape(1, H, W)
    lab0 = jnp.where(mask, idx, sentinel)

    def _step(lab):
        p = jnp.pad(lab, ((0, 0), (1, 1), (1, 1)), constant_values=sentinel)
        neigh = jnp.minimum(jnp.minimum(p[:, :-2, 1:-1], p[:, 2:, 1:-1]),
                            jnp.minimum(p[:, 1:-1, :-2], p[:, 1:-1, 2:]))
        return jnp.where(mask, jnp.minimum(lab, neigh), sentinel)

    def _cond(state):
        return state[1]

    def _body(state):
        lab, _ = state
        new = _step(lab)
        return new, jnp.any(new != lab)

    lab, _ = jax.lax.while_loop(_cond, _body, (lab0, jnp.array(True)))
    return jnp.where(mask, lab, -1)


def setup_inputs(seed: int = 0):
    key = jax.random.key(seed)
    k1, k2 = jax.random.split(key)
    pred_out = jax.random.normal(k1, (1, 3, 64, 64), dtype=jnp.float32)
    target_mask = jax.random.randint(k2, (1, 1, 64, 64), 0, 3, dtype=jnp.int32)
    return {"pred_out": pred_out, "target_mask": target_mask}


def reference(pred_out, target_mask):
    pred_masks = jnp.argmax(pred_out, axis=1)
    res_loss = _bce_dice((pred_out[:, 1:2, :, :] * (pred_masks[:, None, :, :] > 0)).astype(jnp.float32), (target_mask > 0).astype(jnp.float32))
    B, C, H, W = pred_out.shape
    hw = H * W
    clvals = jnp.arange(-1, hw)
    tms = [(target_mask == j).astype(jnp.float32) for j in range(C)]
    tp = jnp.stack([jnp.any(target_mask == j) for j in range(C)])
    for v in range(1, C):
        mask_v = (pred_masks == v)
        has_v = jnp.any(mask_v)
        lab = _cc_min_labels(mask_v)
        pres0 = jnp.concatenate([
            jnp.any(lab == -1).reshape(1),
            jnp.any(lab.reshape(B, hw) == jnp.arange(hw), axis=0),
        ])

        def per_candidate(cl, lab=lab, v=v):
            c_mask = pred_out[:, v:v + 1, :, :] * (lab == cl)
            return jnp.stack([_bce_dice(c_mask, tms[j]) for j in range(C)])

        Lmat = jax.lax.map(per_candidate, clvals)
        cur_pres = pres0
        res_v = res_loss
        tp_v = tp
        for k in range(C):
            n_t = jnp.sum(tp_v)
            active = k < n_t
            cnt = jnp.cumsum(tp_v)
            t_idx = jnp.argmax(tp_v & (cnt - 1 == k))
            L = Lmat[:, t_idx]
            masked = jnp.where(cur_pres, L, jnp.inf)
            idx = jnp.argmin(masked)
            matched = active & jnp.any(cur_pres)
            res_v = jnp.where(matched, res_v + masked[idx], res_v)
            cur_pres = jnp.where(matched, cur_pres.at[idx].set(False), cur_pres)
            tp_v = jnp.where(matched, tp_v.at[t_idx].set(False), tp_v)
        res_v = res_v + jnp.sum(cur_pres).astype(res_v.dtype)
        res_loss = jnp.where(has_v, res_v, res_loss)
        tp = jnp.where(has_v, tp_v, tp)
    res_loss = res_loss + jnp.sum(tp).astype(res_loss.dtype)
    return res_loss

if __name__ == "__main__":
    import jax
    _d = setup_inputs()
    print(jax.jit(kernel)(*tuple(_d.values())))

</pallas_src>

<mosaic_0001>
#map = affine_map<(d0, d1) -> (0)>
module attributes {stable_mosaic.version = 14 : i64} {
  func.func @_sc_body(%arg0: i32, %arg1: i32, %arg2: memref<4096xi32, #tpu.memory_space<hbm>>, %arg3: memref<24576xf32, #tpu.memory_space<hbm>>, %arg4: memref<8192xi32, #tpu.memory_space<hbm>>, %arg5: memref<32768xi32, #tpu.memory_space<hbm>>, %arg6: memref<4224xi32, #tpu.memory_space<hbm>>, %arg7: memref<12672xf32, #tpu.memory_space<hbm>>, %arg8: memref<101376xf32, #tpu.memory_space<hbm>>, %arg9: memref<4224xi32, #tpu.memory_space<vmem>>, %arg10: memref<1024xi32, #tpu.memory_space<vmem>>, %arg11: memref<4096xi32, #tpu.memory_space<vmem>>, %arg12: memref<4096xi32, #tpu.memory_space<vmem>>, %arg13: memref<4096xf32, #tpu.memory_space<vmem>>, %arg14: memref<12672xf32, #tpu.memory_space<vmem>>, %arg15: memref<16xi32, #tpu.memory_space<vmem>>, %arg16: memref<256xi32, #tpu.memory_space<vmem>>, %arg17: memref<4096xi32, #tpu.memory_space<vmem_shared>>, %arg18: memref<256xi32, #tpu.memory_space<vmem_shared>>, %arg19: memref<!tpu.dma_semaphore, #tpu.memory_space<semaphore_mem>>, %arg20: memref<!tpu.dma_semaphore, #tpu.memory_space<semaphore_mem>>) attributes {dimension_semantics = [#tpu.dimension_semantics<core_parallel>, #tpu.dimension_semantics<subcore_parallel>], iteration_bounds = array<i64: 2, 16>, scalar_prefetch = 0 : i64, scratch_operands = 12 : i64, tpu.core_type = #tpu.core_type<sc_vector_subcore>, window_params = [{transform_indices = #map}, {transform_indices = #map}, {transform_indices = #map}, {transform_indices = #map}, {transform_indices = #map}, {transform_indices = #map}, {transform_indices = #map}]} {
    %lt3A = arith.constant 4 : i32
    %lt3A_0 = arith.cmpi slt, %arg1, %lt3A : i32
    tpu.enqueue_dma source(%arg6 : memref<4224xi32, #tpu.memory_space<hbm>>) target(%arg9 : memref<4224xi32, #tpu.memory_space<vmem>>) target_semaphore(%arg19 : memref<!tpu.dma_semaphore, #tpu.memory_space<semaphore_mem>>)
    %mul3A = arith.constant 4 : i32
    %mul3A_1 = arith.muli %arg0, %mul3A : i32
    %mul3A_2 = arith.constant 4096 : i32
    %mul3A_3 = arith.muli %mul3A_1, %mul3A_2 : i32
    %add3A = arith.constant 0 : i32
    %add3A_4 = arith.addi %mul3A_3, %add3A : i32
    %mul3A_5 = arith.constant 256 : i32
    %mul3A_6 = arith.muli %arg1, %mul3A_5 : i32
    %add3A_7 = arith.addi %add3A_4, %mul3A_6 : i32
    %dma_start3A = arith.constant 0 : i32
    %dma_start3A_8 = tpu.memref_slice %arg10[%dma_start3A] : memref<1024xi32, #tpu.memory_space<vmem>> -> memref<256xi32, #tpu.memory_space<vmem>>
    %dma_start3A_9 = tpu.memref_slice %arg5[%add3A_7] : memref<32768xi32, #tpu.memory_space<hbm>> -> memref<256xi32, #tpu.memory_space<hbm>>
    %dma_start3A_10 = arith.constant 0 : i32
    %dma_start3A_11 = tpu.memref_slice %arg10[%dma_start3A_10] : memref<1024xi32, #tpu.memory_space<vmem>> -> memref<256xi32, #tpu.memory_space<vmem>>
    %dma_start3A_12 = tpu.memref_slice %arg5[%add3A_7] : memref<32768xi32, #tpu.memory_space<hbm>> -> memref<256xi32, #tpu.memory_space<hbm>>
    tpu.enqueue_dma source(%dma_start3A_12 : memref<256xi32, #tpu.memory_space<hbm>>) target(%dma_start3A_11 : memref<256xi32, #tpu.memory_space<vmem>>) target_semaphore(%arg19 : memref<!tpu.dma_semaphore, #tpu.memory_space<semaphore_mem>>)
    %mul3A_13 = arith.constant 4 : i32
    %mul3A_14 = arith.muli %arg0, %mul3A_13 : i32
    %mul3A_15 = arith.constant 4096 : i32
    %mul3A_16 = arith.muli %mul3A_14, %mul3A_15 : i32
    %add3A_17 = arith.constant 4096 : i32
    %add3A_18 = arith.addi %mul3A_16, %add3A_17 : i32
    %mul3A_19 = arith.constant 256 : i32
    %mul3A_20 = arith.muli %arg1, %mul3A_19 : i32
    %add3A_21 = arith.addi %add3A_18, %mul3A_20 : i32
    %dma_start3A_22 = arith.constant 256 : i32
    %dma_start3A_23 = tpu.memref_slice %arg10[%dma_start3A_22] : memref<1024xi32, #tpu.memory_space<vmem>> -> memref<256xi32, #tpu.memory_space<vmem>>
    %dma_start3A_24 = tpu.memref_slice %arg5[%add3A_21] : memref<32768xi32, #tpu.memory_space<hbm>> -> memref<256xi32, #tpu.memory_space<hbm>>
    %dma_start3A_25 = arith.constant 256 : i32
    %dma_start3A_26 = tpu.memref_slice %arg10[%dma_start3A_25] : memref<1024xi32, #tpu.memory_space<vmem>> -> memref<256xi32, #tpu.memory_space<vmem>>
    %dma_start3A_27 = tpu.memref_slice %arg5[%add3A_21] : memref<32768xi32, #tpu.memory_space<hbm>> -> memref<256xi32, #tpu.memory_space<hbm>>
    tpu.enqueue_dma source(%dma_start3A_27 : memref<256xi32, #tpu.memory_space<hbm>>) target(%dma_start3A_26 : memref<256xi32, #tpu.memory_space<vmem>>) target_semaphore(%arg19 : memref<!tpu.dma_semaphore, #tpu.memory_space<semaphore_mem>>)
    %mul3A_28 = arith.constant 4 : i32
    %mul3A_29 = arith.muli %arg0, %mul3A_28 : i32
    %mul3A_30 = arith.constant 4096 : i32
    %mul3A_31 = arith.muli %mul3A_29, %mul3A_30 : i32
    %add3A_32 = arith.constant 8192 : i32
    %add3A_33 = arith.addi %mul3A_31, %add3A_32 : i32
    %mul3A_34 = arith.constant 256 : i32
    %mul3A_35 = arith.muli %arg1, %mul3A_34 : i32
    %add3A_36 = arith.addi %add3A_33, %mul3A_35 : i32
    %dma_start3A_37 = arith.constant 512 : i32
    %dma_start3A_38 = tpu.memref_slice %arg10[%dma_start3A_37] : memref<1024xi32, #tpu.memory_space<vmem>> -> memref<256xi32, #tpu.memory_space<vmem>>
    %dma_start3A_39 = tpu.memref_slice %arg5[%add3A_36] : memref<32768xi32, #tpu.memory_space<hbm>> -> memref<256xi32, #tpu.memory_space<hbm>>
    %dma_start3A_40 = arith.constant 512 : i32
    %dma_start3A_41 = tpu.memref_slice %arg10[%dma_start3A_40] : memref<1024xi32, #tpu.memory_space<vmem>> -> memref<256xi32, #tpu.memory_space<vmem>>
    %dma_start3A_42 = tpu.memref_slice %arg5[%add3A_36] : memref<32768xi32, #tpu.memory_space<hbm>> -> memref<256xi32, #tpu.memory_space<hbm>>
    tpu.enqueue_dma source(%dma_start3A_42 : memref<256xi32, #tpu.memory_space<hbm>>) target(%dma_start3A_41 : memref<256xi32, #tpu.memory_space<vmem>>) target_semaphore(%arg19 : memref<!tpu.dma_semaphore, #tpu.memory_space<semaphore_mem>>)
    %mul3A_43 = arith.constant 4 : i32
    %mul3A_44 = arith.muli %arg0, %mul3A_43 : i32
    %mul3A_45 = arith.constant 4096 : i32
    %mul3A_46 = arith.muli %mul3A_44, %mul3A_45 : i32
    %add3A_47 = arith.constant 12288 : i32
    %add3A_48 = arith.addi %mul3A_46, %add3A_47 : i32
    %mul3A_49 = arith.constant 256 : i32
    %mul3A_50 = arith.muli %arg1, %mul3A_49 : i32
    %add3A_51 = arith.addi %add3A_48, %mul3A_50 : i32
    %dma_start3A_52 = arith.constant 768 : i32
    %dma_start3A_53 = tpu.memref_slice %arg10[%dma_start3A_52] : memref<1024xi32, #tpu.memory_space<vmem>> -> memref<256xi32, #tpu.memory_space<vmem>>
    %dma_start3A_54 = tpu.memref_slice %arg5[%add3A_51] : memref<32768xi32, #tpu.memory_space<hbm>> -> memref<256xi32, #tpu.memory_space<hbm>>
    %dma_start3A_55 = arith.constant 768 : i32
    %dma_start3A_56 = tpu.memref_slice %arg10[%dma_start3A_55] : memref<1024xi32, #tpu.memory_space<vmem>> -> memref<256xi32, #tpu.memory_space<vmem>>
    %dma_start3A_57 = tpu.memref_slice %arg5[%add3A_51] : memref<32768xi32, #tpu.memory_space<hbm>> -> memref<256xi32, #tpu.memory_space<hbm>>
    tpu.enqueue_dma source(%dma_start3A_57 : memref<256xi32, #tpu.memory_space<hbm>>) target(%dma_start3A_56 : memref<256xi32, #tpu.memory_space<vmem>>) target_semaphore(%arg19 : memref<!tpu.dma_semaphore, #tpu.memory_space<semaphore_mem>>)
    %mul3A_58 = arith.constant 3 : i32
    %mul3A_59 = arith.muli %arg0, %mul3A_58 : i32
    %mul3A_60 = arith.constant 4096 : i32
    %mul3A_61 = arith.muli %mul3A_59, %mul3A_60 : i32
    %sub3A = arith.constant 1 : i32
    %sub3A_62 = arith.subi %arg1, %sub3A : i32
    %max3A = arith.constant 0 : i32
    %max3A_63 = arith.maxsi %sub3A_62, %max3A : i32
    %mul3A_64 = arith.constant 4096 : i32
    %mul3A_65 = arith.muli %max3A_63, %mul3A_64 : i32
    %add3A_66 = arith.addi %mul3A_61, %mul3A_65 : i32
    %convert_element_type3A = arith.extui %lt3A_0 : i1 to i32
    %cond3A = arith.constant 0 : i32
    %cond3A_67 = arith.cmpi ne, %convert_element_type3A, %cond3A : i32
    scf.if %cond3A_67 {
      tpu.enqueue_dma source(%arg2 : memref<4096xi32, #tpu.memory_space<hbm>>) target(%arg11 : memref<4096xi32, #tpu.memory_space<vmem>>) target_semaphore(%arg20 : memref<!tpu.dma_semaphore, #tpu.memory_space<semaphore_mem>>)
      %mul3A_97 = arith.constant 4096 : i32
      %mul3A_98 = arith.muli %arg0, %mul3A_97 : i32
      %dma_start3A_99 = tpu.memref_slice %arg4[%mul3A_98] : memref<8192xi32, #tpu.memory_space<hbm>> -> memref<4096xi32, #tpu.memory_space<hbm>>
      %dma_start3A_100 = tpu.memref_slice %arg4[%mul3A_98] : memref<8192xi32, #tpu.memory_space<hbm>> -> memref<4096xi32, #tpu.memory_space<hbm>>
      tpu.enqueue_dma source(%dma_start3A_100 : memref<4096xi32, #tpu.memory_space<hbm>>) target(%arg12 : memref<4096xi32, #tpu.memory_space<vmem>>) target_semaphore(%arg20 : memref<!tpu.dma_semaphore, #tpu.memory_space<semaphore_mem>>)
      %dma_start3A_101 = tpu.memref_slice %arg3[%add3A_66] : memref<24576xf32, #tpu.memory_space<hbm>> -> memref<4096xf32, #tpu.memory_space<hbm>>
      %dma_start3A_102 = tpu.memref_slice %arg3[%add3A_66] : memref<24576xf32, #tpu.memory_space<hbm>> -> memref<4096xf32, #tpu.memory_space<hbm>>
      tpu.enqueue_dma source(%dma_start3A_102 : memref<4096xf32, #tpu.memory_space<hbm>>) target(%arg13 : memref<4096xf32, #tpu.memory_space<vmem>>) target_semaphore(%arg20 : memref<!tpu.dma_semaphore, #tpu.memory_space<semaphore_mem>>)
      tpu.enqueue_dma source(%arg7 : memref<12672xf32, #tpu.memory_space<hbm>>) target(%arg14 : memref<12672xf32, #tpu.memory_space<vmem>>) target_semaphore(%arg20 : memref<!tpu.dma_semaphore, #tpu.memory_space<semaphore_mem>>)
    } else {
    }
    tpu.wait_dma2 semaphore(%arg19 : memref<!tpu.dma_semaphore, #tpu.memory_space<semaphore_mem>>) src(%arg6 : memref<4224xi32, #tpu.memory_space<hbm>>) dst(%arg9 : memref<4224xi32, #tpu.memory_space<vmem>>)
    %dma_wait3A = arith.constant 0 : i32
    %dma_wait3A_68 = tpu.memref_slice %arg10[%dma_wait3A] : memref<1024xi32, #tpu.memory_space<vmem>> -> memref<256xi32, #tpu.memory_space<vmem>>
    %dma_wait3A_69 = tpu.memref_slice %arg5[%add3A_7] : memref<32768xi32, #tpu.memory_space<hbm>> -> memref<256xi32, #tpu.memory_space<hbm>>
    %dma_wait3A_70 = arith.constant 0 : i32
    %dma_wait3A_71 = tpu.memref_slice %arg10[%dma_wait3A_70] : memref<1024xi32, #tpu.memory_space<vmem>> -> memref<256xi32, #tpu.memory_space<vmem>>
    %dma_wait3A_72 = tpu.memref_slice %arg5[%add3A_7] : memref<32768xi32, #tpu.memory_space<hbm>> -> memref<256xi32, #tpu.memory_space<hbm>>
    tpu.wait_dma2 semaphore(%arg19 : memref<!tpu.dma_semaphore, #tpu.memory_space<semaphore_mem>>) src(%dma_wait3A_72 : memref<256xi32, #tpu.memory_space<hbm>>) dst(%dma_wait3A_71 : memref<256xi32, #tpu.memory_space<vmem>>)
    %dma_wait3A_73 = arith.constant 256 : i32
    %dma_wait3A_74 = tpu.memref_slice %arg10[%dma_wait3A_73] : memref<1024xi32, #tpu.memory_space<vmem>> -> memref<256xi32, #tpu.memory_space<vmem>>
    %dma_wait3A_75 = tpu.memref_slice %arg5[%add3A_21] : memref<32768xi32, #tpu.memory_space<hbm>> -> memref<256xi32, #tpu.memory_space<hbm>>
    %dma_wait3A_76 = arith.constant 256 : i32
    %dma_wait3A_77 = tpu.memref_slice %arg10[%dma_wait3A_76] : memref<1024xi32, #tpu.memory_space<vmem>> -> memref<256xi32, #tpu.memory_space<vmem>>
    %dma_wait3A_78 = tpu.memref_slice %arg5[%add3A_21] : memref<32768xi32, #tpu.memory_space<hbm>> -> memref<256xi32, #tpu.memory_space<hbm>>
    tpu.wait_dma2 semaphore(%arg19 : memref<!tpu.dma_semaphore, #tpu.memory_space<semaphore_mem>>) src(%dma_wait3A_78 : memref<256xi32, #tpu.memory_space<hbm>>) dst(%dma_wait3A_77 : memref<256xi32, #tpu.memory_space<vmem>>)
    %dma_wait3A_79 = arith.constant 512 : i32
    %dma_wait3A_80 = tpu.memref_slice %arg10[%dma_wait3A_79] : memref<1024xi32, #tpu.memory_space<vmem>> -> memref<256xi32, #tpu.memory_space<vmem>>
    %dma_wait3A_81 = tpu.memref_slice %arg5[%add3A_36] : memref<32768xi32, #tpu.memory_space<hbm>> -> memref<256xi32, #tpu.memory_space<hbm>>
    %dma_wait3A_82 = arith.constant 512 : i32
    %dma_wait3A_83 = tpu.memref_slice %arg10[%dma_wait3A_82] : memref<1024xi32, #tpu.memory_space<vmem>> -> memref<256xi32, #tpu.memory_space<vmem>>
    %dma_wait3A_84 = tpu.memref_slice %arg5[%add3A_36] : memref<32768xi32, #tpu.memory_space<hbm>> -> memref<256xi32, #tpu.memory_space<hbm>>
    tpu.wait_dma2 semaphore(%arg19 : memref<!tpu.dma_semaphore, #tpu.memory_space<semaphore_mem>>) src(%dma_wait3A_84 : memref<256xi32, #tpu.memory_space<hbm>>) dst(%dma_wait3A_83 : memref<256xi32, #tpu.memory_space<vmem>>)
    %dma_wait3A_85 = arith.constant 768 : i32
    %dma_wait3A_86 = tpu.memref_slice %arg10[%dma_wait3A_85] : memref<1024xi32, #tpu.memory_space<vmem>> -> memref<256xi32, #tpu.memory_space<vmem>>
    %dma_wait3A_87 = tpu.memref_slice %arg5[%add3A_51] : memref<32768xi32, #tpu.memory_space<hbm>> -> memref<256xi32, #tpu.memory_space<hbm>>
    %dma_wait3A_88 = arith.constant 768 : i32
    %dma_wait3A_89 = tpu.memref_slice %arg10[%dma_wait3A_88] : memref<1024xi32, #tpu.memory_space<vmem>> -> memref<256xi32, #tpu.memory_space<vmem>>
    %dma_wait3A_90 = tpu.memref_slice %arg5[%add3A_51] : memref<32768xi32, #tpu.memory_space<hbm>> -> memref<256xi32, #tpu.memory_space<hbm>>
    tpu.wait_dma2 semaphore(%arg19 : memref<!tpu.dma_semaphore, #tpu.memory_space<semaphore_mem>>) src(%dma_wait3A_90 : memref<256xi32, #tpu.memory_space<hbm>>) dst(%dma_wait3A_89 : memref<256xi32, #tpu.memory_space<vmem>>)
    %broadcast_in_dim3A = arith.constant 0 : i32
    %broadcast_in_dim3A_91 = vector.broadcast %broadcast_in_dim3A : i32 to vector<16xi32>
    %while3A = arith.constant 1 : i32
    %while3A_92 = arith.constant 0 : i32
    %while3A_93:2 = scf.while (%while3A_97 = %while3A, %while3A_98 = %while3A_92) : (i32, i32) -> (i32, i32) {
      %gt3A = arith.constant 0 : i32
      %gt3A_99 = arith.cmpi sgt, %while3A_97, %gt3A : i32
      scf.condition(%gt3A_99) %while3A_97, %while3A_98 : i32, i32
    } do {
    ^bb0(%while3A_97: i32, %while3A_98: i32):
      %scan3A = arith.constant 0 : i32
      %scan3A_99 = arith.constant 0 : i32
      %scan3A_100 = arith.constant 16 : i32
      %scan3A_101 = arith.addi %scan3A_99, %scan3A_100 : i32
      %scan3A_102 = arith.constant 1 : i32
      %scan3A_103 = scf.for %scan3A_176 = %scan3A_99 to %scan3A_101 step %scan3A_102 iter_args(%scan3A_177 = %broadcast_in_dim3A_91) -> (vector<16xi32>)  : i32 {
        %gt3A = arith.constant 0 : i32
        %gt3A_178 = arith.cmpi sgt, %scan3A, %gt3A : i32
        %sub3A_179 = arith.constant 15 : i32
        %sub3A_180 = arith.subi %sub3A_179, %scan3A_176 : i32
        %select_n3A = arith.select %gt3A_178, %sub3A_180, %scan3A_176 : i32
        %mul3A_181 = arith.constant 16 : i32
        %mul3A_182 = arith.muli %arg1, %mul3A_181 : i32
        %add3A_183 = arith.addi %mul3A_182, %select_n3A : i32
        %mul3A_184 = arith.constant 16 : i32
        %mul3A_185 = arith.muli %add3A_183, %mul3A_184 : i32
        %add3A_186 = arith.constant 64 : i32
        %add3A_187 = arith.addi %add3A_186, %mul3A_185 : i32
        %get3A_188 = arith.index_cast %add3A_187 : i32 to index
        %get3A_189 = tpu.vector_load %arg9[%get3A_188] {strides = array<i32>} : memref<4224xi32, #tpu.memory_space<vmem>>, vector<16xi32>,
        %add3A_190 = arith.constant -64 : i32
        %add3A_191 = arith.addi %add3A_187, %add3A_190 : i32
        %get3A_192 = arith.index_cast %add3A_191 : i32 to index
        %get3A_193 = tpu.vector_load %arg9[%get3A_192] {strides = array<i32>} : memref<4224xi32, #tpu.memory_space<vmem>>, vector<16xi32>,
        %mul3A_194 = arith.constant 16 : i32
        %mul3A_195 = arith.muli %select_n3A, %mul3A_194 : i32
        %add3A_196 = arith.constant 0 : i32
        %add3A_197 = arith.addi %add3A_196, %mul3A_195 : i32
        %get3A_198 = arith.index_cast %add3A_197 : i32 to index
        %get3A_199 = tpu.vector_load %arg10[%get3A_198] {strides = array<i32>} : memref<1024xi32, #tpu.memory_space<vmem>>, vector<16xi32>,
        %or3A_200 = arith.ori %get3A_193, %get3A_199 : vector<16xi32>
        %min3A = arith.minsi %get3A_189, %or3A_200 : vector<16xi32>
        %add3A_201 = arith.constant 64 : i32
        %add3A_202 = arith.addi %add3A_187, %add3A_201 : i32
        %get3A_203 = arith.index_cast %add3A_202 : i32 to index
        %get3A_204 = tpu.vector_load %arg9[%get3A_203] {strides = array<i32>} : memref<4224xi32, #tpu.memory_space<vmem>>, vector<16xi32>,
        %mul3A_205 = arith.constant 16 : i32
        %mul3A_206 = arith.muli %select_n3A, %mul3A_205 : i32
        %add3A_207 = arith.constant 256 : i32
        %add3A_208 = arith.addi %add3A_207, %mul3A_206 : i32
        %get3A_209 = arith.index_cast %add3A_208 : i32 to index
        %get3A_210 = tpu.vector_load %arg10[%get3A_209] {strides = array<i32>} : memref<1024xi32, #tpu.memory_space<vmem>>, vector<16xi32>,
        %or3A_211 = arith.ori %get3A_204, %get3A_210 : vector<16xi32>
        %min3A_212 = arith.minsi %min3A, %or3A_211 : vector<16xi32>
        %add3A_213 = arith.constant -1 : i32
        %add3A_214 = arith.addi %add3A_187, %add3A_213 : i32
        %get3A_215 = arith.index_cast %add3A_214 : i32 to index
        %get3A_216 = tpu.vector_load %arg9[%get3A_215] {strides = array<i32>} : memref<4224xi32, #tpu.memory_space<vmem>>, vector<16xi32>,
        %mul3A_217 = arith.constant 16 : i32
        %mul3A_218 = arith.muli %select_n3A, %mul3A_217 : i32
        %add3A_219 = arith.constant 512 : i32
        %add3A_220 = arith.addi %add3A_219, %mul3A_218 : i32
        %get3A_221 = arith.index_cast %add3A_220 : i32 to index
        %get3A_222 = tpu.vector_load %arg10[%get3A_221] {strides = array<i32>} : memref<1024xi32, #tpu.memory_space<vmem>>, vector<16xi32>,
        %or3A_223 = arith.ori %get3A_216, %get3A_222 : vector<16xi32>
        %min3A_224 = arith.minsi %min3A_212, %or3A_223 : vector<16xi32>
        %add3A_225 = arith.constant 1 : i32
        %add3A_226 = arith.addi %add3A_187, %add3A_225 : i32
        %get3A_227 = arith.index_cast %add3A_226 : i32 to index
        %get3A_228 = tpu.vector_load %arg9[%get3A_227] {strides = array<i32>} : memref<4224xi32, #tpu.memory_space<vmem>>, vector<16xi32>,
        %mul3A_229 = arith.constant 16 : i32
        %mul3A_230 = arith.muli %select_n3A, %mul3A_229 : i32
        %add3A_231 = arith.constant 768 : i32
        %add3A_232 = arith.addi %add3A_231, %mul3A_230 : i32
        %get3A_233 = arith.index_cast %add3A_232 : i32 to index
        %get3A_234 = tpu.vector_load %arg10[%get3A_233] {strides = array<i32>} : memref<1024xi32, #tpu.memory_space<vmem>>, vector<16xi32>,
        %or3A_235 = arith.ori %get3A_228, %get3A_234 : vector<16xi32>
        %min3A_236 = arith.minsi %min3A_224, %or3A_235 : vector<16xi32>
        %add3A_237 = arith.constant 64 : i32
        %add3A_238 = vector.broadcast %add3A_237 : i32 to vector<16xi32>
        %add3A_239 = arith.addi %min3A_236, %add3A_238 : vector<16xi32>
        %gather3A = tpu.vector_load_idx %arg9[%add3A_239] : memref<4224xi32, #tpu.memory_space<vmem>>[vector<16xi32>], vector<16xi32>,
        %swap3A_240 = arith.index_cast %add3A_187 : i32 to index
        %swap3A_241 = tpu.vector_load %arg9[%swap3A_240] {strides = array<i32>} : memref<4224xi32, #tpu.memory_space<vmem>>, vector<16xi32>,
        tpu.vector_store %arg9[%swap3A_240], %gather3A {strides = array<i32>} : memref<4224xi32, #tpu.memory_space<vmem>>, vector<16xi32>,
        %ne3A = arith.cmpi ne, %gather3A, %get3A_189 : vector<16xi32>
        %convert_element_type3A_242 = arith.extui %ne3A : vector<16xi1> to vector<16xi32>
        %or3A_243 = arith.ori %scan3A_177, %convert_element_type3A_242 : vector<16xi32>
        scf.yield %or3A_243 : vector<16xi32>
      }
      %scan3A_104 = arith.constant 16 : i32
      %scan3A_105 = arith.constant 1 : i32
      %scan3A_106 = arith.constant 0 : i32
      %scan3A_107 = arith.constant 16 : i32
      %scan3A_108 = arith.addi %scan3A_106, %scan3A_107 : i32
      %scan3A_109 = arith.constant 1 : i32
      %scan3A_110 = scf.for %scan3A_176 = %scan3A_106 to %scan3A_108 step %scan3A_109 iter_args(%scan3A_177 = %scan3A_103) -> (vector<16xi32>)  : i32 {
        %gt3A = arith.constant 0 : i32
        %gt3A_178 = arith.cmpi sgt, %scan3A_105, %gt3A : i32
        %sub3A_179 = arith.constant 15 : i32
        %sub3A_180 = arith.subi %sub3A_179, %scan3A_176 : i32
        %select_n3A = arith.select %gt3A_178, %sub3A_180, %scan3A_176 : i32
        %mul3A_181 = arith.constant 16 : i32
        %mul3A_182 = arith.muli %arg1, %mul3A_181 : i32
        %add3A_183 = arith.addi %mul3A_182, %select_n3A : i32
        %mul3A_184 = arith.constant 16 : i32
        %mul3A_185 = arith.muli %add3A_183, %mul3A_184 : i32
        %add3A_186 = arith.constant 64 : i32
        %add3A_187 = arith.addi %add3A_186, %mul3A_185 : i32
        %get3A_188 = arith.index_cast %add3A_187 : i32 to index
        %get3A_189 = tpu.vector_load %arg9[%get3A_188] {strides = array<i32>} : memref<4224xi32, #tpu.memory_space<vmem>>, vector<16xi32>,
        %add3A_190 = arith.constant -64 : i32
        %add3A_191 = arith.addi %add3A_187, %add3A_190 : i32
        %get3A_192 = arith.index_cast %add3A_191 : i32 to index
        %get3A_193 = tpu.vector_load %arg9[%get3A_192] {strides = array<i32>} : memref<4224xi32, #tpu.memory_space<vmem>>, vector<16xi32>,
        %mul3A_194 = arith.constant 16 : i32
        %mul3A_195 = arith.muli %select_n3A, %mul3A_194 : i32
        %add3A_196 = arith.constant 0 : i32
        %add3A_197 = arith.addi %add3A_196, %mul3A_195 : i32
        %get3A_198 = arith.index_cast %add3A_197 : i32 to index
        %get3A_199 = tpu.vector_load %arg10[%get3A_198] {strides = array<i32>} : memref<1024xi32, #tpu.memory_space<vmem>>, vector<16xi32>,
        %or3A_200 = arith.ori %get3A_193, %get3A_199 : vector<16xi32>
        %min3A = arith.minsi %get3A_189, %or3A_200 : vector<16xi32>
        %add3A_201 = arith.constant 64 : i32
        %add3A_202 = arith.addi %add3A_187, %add3A_201 : i32
        %get3A_203 = arith.index_cast %add3A_202 : i32 to index
        %get3A_204 = tpu.vector_load %arg9[%get3A_203] {strides = array<i32>} : memref<4224xi32, #tpu.memory_space<vmem>>, vector<16xi32>,
        %mul3A_205 = arith.constant 16 : i32
        %mul3A_206 = arith.muli %select_n3A, %mul3A_205 : i32
        %add3A_207 = arith.constant 256 : i32
        %add3A_208 = arith.addi %add3A_207, %mul3A_206 : i32
        %get3A_209 = arith.index_cast %add3A_208 : i32 to index
        %get3A_210 = tpu.vector_load %arg10[%get3A_209] {strides = array<i32>} : memref<1024xi32, #tpu.memory_space<vmem>>, vector<16xi32>,
        %or3A_211 = arith.ori %get3A_204, %get3A_210 : vector<16xi32>
        %min3A_212 = arith.minsi %min3A, %or3A_211 : vector<16xi32>
        %add3A_213 = arith.constant -1 : i32
        %add3A_214 = arith.addi %add3A_187, %add3A_213 : i32
        %get3A_215 = arith.index_cast %add3A_214 : i32 to index
        %get3A_216 = tpu.vector_load %arg9[%get3A_215] {strides = array<i32>} : memref<4224xi32, #tpu.memory_space<vmem>>, vector<16xi32>,
        %mul3A_217 = arith.constant 16 : i32
        %mul3A_218 = arith.muli %select_n3A, %mul3A_217 : i32
        %add3A_219 = arith.constant 512 : i32
        %add3A_220 = arith.addi %add3A_219, %mul3A_218 : i32
        %get3A_221 = arith.index_cast %add3A_220 : i32 to index
        %get3A_222 = tpu.vector_load %arg10[%get3A_221] {strides = array<i32>} : memref<1024xi32, #tpu.memory_space<vmem>>, vector<16xi32>,
        %or3A_223 = arith.ori %get3A_216, %get3A_222 : vector<16xi32>
        %min3A_224 = arith.minsi %min3A_212, %or3A_223 : vector<16xi32>
        %add3A_225 = arith.constant 1 : i32
        %add3A_226 = arith.addi %add3A_187, %add3A_225 : i32
        %get3A_227 = arith.index_cast %add3A_226 : i32 to index
        %get3A_228 = tpu.vector_load %arg9[%get3A_227] {strides = array<i32>} : memref<4224xi32, #tpu.memory_space<vmem>>, vector<16xi32>,
        %mul3A_229 = arith.constant 16 : i32
        %mul3A_230 = arith.muli %select_n3A, %mul3A_229 : i32
        %add3A_231 = arith.constant 768 : i32
        %add3A_232 = arith.addi %add3A_231, %mul3A_230 : i32
        %get3A_233 = arith.index_cast %add3A_232 : i32 to index
        %get3A_234 = tpu.vector_load %arg10[%get3A_233] {strides = array<i32>} : memref<1024xi32, #tpu.memory_space<vmem>>, vector<16xi32>,
        %or3A_235 = arith.ori %get3A_228, %get3A_234 : vector<16xi32>
        %min3A_236 = arith.minsi %min3A_224, %or3A_235 : vector<16xi32>
        %add3A_237 = arith.constant 64 : i32
        %add3A_238 = vector.broadcast %add3A_237 : i32 to vector<16xi32>
        %add3A_239 = arith.addi %min3A_236, %add3A_238 : vector<16xi32>
        %gather3A = tpu.vector_load_idx %arg9[%add3A_239] : memref<4224xi32, #tpu.memory_space<vmem>>[vector<16xi32>], vector<16xi32>,
        %swap3A_240 = arith.index_cast %add3A_187 : i32 to index
        %swap3A_241 = tpu.vector_load %arg9[%swap3A_240] {strides = array<i32>} : memref<4224xi32, #tpu.memory_space<vmem>>, vector<16xi32>,
        tpu.vector_store %arg9[%swap3A_240], %gather3A {strides = array<i32>} : memref<4224xi32, #tpu.memory_space<vmem>>, vector<16xi32>,
        %ne3A = arith.cmpi ne, %gather3A, %get3A_189 : vector<16xi32>
        %convert_element_type3A_242 = arith.extui %ne3A : vector<16xi1> to vector<16xi32>
        %or3A_243 = arith.ori %scan3A_177, %convert_element_type3A_242 : vector<16xi32>
        scf.yield %or3A_243 : vector<16xi32>
      }
      %scan3A_111 = arith.constant 16 : i32
      %swap3A = arith.constant 0 : index
      %swap3A_112 = tpu.vector_load %arg15[%swap3A] {strides = array<i32>} : memref<16xi32, #tpu.memory_space<vmem>>, vector<16xi32>,
      tpu.vector_store %arg15[%swap3A], %scan3A_110 {strides = array<i32>} : memref<16xi32, #tpu.memory_space<vmem>>, vector<16xi32>,
      %mul3A_113 = arith.constant 256 : i32
      %mul3A_114 = arith.muli %arg1, %mul3A_113 : i32
      %add3A_115 = arith.constant 64 : i32
      %add3A_116 = arith.addi %add3A_115, %mul3A_114 : i32
      %mul3A_117 = arith.constant 256 : i32
      %mul3A_118 = arith.muli %arg1, %mul3A_117 : i32
      "tpu.region"() ({
        %run_scoped3A = tpu.sem_alloc : memref<!tpu.dma_semaphore, #tpu.memory_space<semaphore_mem>>
        %dma_start3A_176 = tpu.memref_slice %arg9[%add3A_116] : memref<4224xi32, #tpu.memory_space<vmem>> -> memref<256xi32, #tpu.memory_space<vmem>>
        %dma_start3A_177 = tpu.memref_slice %arg17[%mul3A_118] : memref<4096xi32, #tpu.memory_space<vmem_shared>> -> memref<256xi32, #tpu.memory_space<vmem_shared>>
        %dma_start3A_178 = tpu.memref_slice %arg17[%mul3A_118] : memref<4096xi32, #tpu.memory_space<vmem_shared>> -> memref<256xi32, #tpu.memory_space<vmem_shared>>
        %dma_start3A_179 = tpu.memref_slice %arg9[%add3A_116] : memref<4224xi32, #tpu.memory_space<vmem>> -> memref<256xi32, #tpu.memory_space<vmem>>
        tpu.enqueue_dma source(%dma_start3A_179 : memref<256xi32, #tpu.memory_space<vmem>>) target(%dma_start3A_178 : memref<256xi32, #tpu.memory_space<vmem_shared>>) target_semaphore(%run_scoped3A : memref<!tpu.dma_semaphore, #tpu.memory_space<semaphore_mem>>)
        %dma_wait3A_180 = tpu.memref_slice %arg9[%add3A_116] : memref<4224xi32, #tpu.memory_space<vmem>> -> memref<256xi32, #tpu.memory_space<vmem>>
        %dma_wait3A_181 = tpu.memref_slice %arg17[%mul3A_118] : memref<4096xi32, #tpu.memory_space<vmem_shared>> -> memref<256xi32, #tpu.memory_space<vmem_shared>>
        %dma_wait3A_182 = tpu.memref_slice %arg17[%mul3A_118] : memref<4096xi32, #tpu.memory_space<vmem_shared>> -> memref<256xi32, #tpu.memory_space<vmem_shared>>
        %dma_wait3A_183 = tpu.memref_slice %arg9[%add3A_116] : memref<4224xi32, #tpu.memory_space<vmem>> -> memref<256xi32, #tpu.memory_space<vmem>>
        tpu.wait_dma2 semaphore(%run_scoped3A : memref<!tpu.dma_semaphore, #tpu.memory_space<semaphore_mem>>) src(%dma_wait3A_183 : memref<256xi32, #tpu.memory_space<vmem>>) dst(%dma_wait3A_182 : memref<256xi32, #tpu.memory_space<vmem_shared>>)
        tpu.yield
      }) : () -> ()
      %mul3A_119 = arith.constant 16 : i32
      %mul3A_120 = arith.muli %arg1, %mul3A_119 : i32
      "tpu.region"() ({
        %run_scoped3A = tpu.sem_alloc : memref<!tpu.dma_semaphore, #tpu.memory_space<semaphore_mem>>
        %dma_start3A_176 = tpu.memref_slice %arg18[%mul3A_120] : memref<256xi32, #tpu.memory_space<vmem_shared>> -> memref<16xi32, #tpu.memory_space<vmem_shared>>
        %dma_start3A_177 = tpu.memref_slice %arg18[%mul3A_120] : memref<256xi32, #tpu.memory_space<vmem_shared>> -> memref<16xi32, #tpu.memory_space<vmem_shared>>
        tpu.enqueue_dma source(%arg15 : memref<16xi32, #tpu.memory_space<vmem>>) target(%dma_start3A_177 : memref<16xi32, #tpu.memory_space<vmem_shared>>) target_semaphore(%run_scoped3A : memref<!tpu.dma_semaphore, #tpu.memory_space<semaphore_mem>>)
        %dma_wait3A_178 = tpu.memref_slice %arg18[%mul3A_120] : memref<256xi32, #tpu.memory_space<vmem_shared>> -> memref<16xi32, #tpu.memory_space<vmem_shared>>
        %dma_wait3A_179 = tpu.memref_slice %arg18[%mul3A_120] : memref<256xi32, #tpu.memory_space<vmem_shared>> -> memref<16xi32, #tpu.memory_space<vmem_shared>>
        tpu.wait_dma2 semaphore(%run_scoped3A : memref<!tpu.dma_semaphore, #tpu.memory_space<semaphore_mem>>) src(%arg15 : memref<16xi32, #tpu.memory_space<vmem>>) dst(%dma_wait3A_179 : memref<16xi32, #tpu.memory_space<vmem_shared>>)
        tpu.yield
      }) : () -> ()
      %barrier3A = arith.constant 0 : index
      tpu.barrier barrier_id(%barrier3A)
      "tpu.region"() ({
        %run_scoped3A = tpu.sem_alloc : memref<!tpu.dma_semaphore, #tpu.memory_space<semaphore_mem>>
        %dma_start3A_176 = arith.constant 64 : i32
        %dma_start3A_177 = tpu.memref_slice %arg9[%dma_start3A_176] : memref<4224xi32, #tpu.memory_space<vmem>> -> memref<4096xi32, #tpu.memory_space<vmem>>
        %dma_start3A_178 = arith.constant 64 : i32
        %dma_start3A_179 = tpu.memref_slice %arg9[%dma_start3A_178] : memref<4224xi32, #tpu.memory_space<vmem>> -> memref<4096xi32, #tpu.memory_space<vmem>>
        tpu.enqueue_dma source(%arg17 : memref<4096xi32, #tpu.memory_space<vmem_shared>>) target(%dma_start3A_179 : memref<4096xi32, #tpu.memory_space<vmem>>) target_semaphore(%run_scoped3A : memref<!tpu.dma_semaphore, #tpu.memory_space<semaphore_mem>>)
        %dma_wait3A_180 = arith.constant 64 : i32
        %dma_wait3A_181 = tpu.memref_slice %arg9[%dma_wait3A_180] : memref<4224xi32, #tpu.memory_space<vmem>> -> memref<4096xi32, #tpu.memory_space<vmem>>
        %dma_wait3A_182 = arith.constant 64 : i32
        %dma_wait3A_183 = tpu.memref_slice %arg9[%dma_wait3A_182] : memref<4224xi32, #tpu.memory_space<vmem>> -> memref<4096xi32, #tpu.memory_space<vmem>>
        tpu.wait_dma2 semaphore(%run_scoped3A : memref<!tpu.dma_semaphore, #tpu.memory_space<semaphore_mem>>) src(%arg17 : memref<4096xi32, #tpu.memory_space<vmem_shared>>) dst(%dma_wait3A_183 : memref<4096xi32, #tpu.memory_space<vmem>>)
        tpu.yield
      }) : () -> ()
      "tpu.region"() ({
        %run_scoped3A = tpu.sem_alloc : memref<!tpu.dma_semaphore, #tpu.memory_space<semaphore_mem>>
        tpu.enqueue_dma source(%arg18 : memref<256xi32, #tpu.memory_space<vmem_shared>>) target(%arg16 : memref<256xi32, #tpu.memory_space<vmem>>) target_semaphore(%run_scoped3A : memref<!tpu.dma_semaphore, #tpu.memory_space<semaphore_mem>>)
        tpu.wait_dma2 semaphore(%run_scoped3A : memref<!tpu.dma_semaphore, #tpu.memory_space<semaphore_mem>>) src(%arg18 : memref<256xi32, #tpu.memory_space<vmem_shared>>) dst(%arg16 : memref<256xi32, #tpu.memory_space<vmem>>)
        tpu.yield
      }) : () -> ()
      %get3A = arith.constant 0 : index
      %get3A_121 = tpu.vector_load %arg16[%get3A] {strides = array<i32>} : memref<256xi32, #tpu.memory_space<vmem>>, vector<16xi32>,
      %get3A_122 = arith.constant 16 : index
      %get3A_123 = tpu.vector_load %arg16[%get3A_122] {strides = array<i32>} : memref<256xi32, #tpu.memory_space<vmem>>, vector<16xi32>,
      %or3A = arith.ori %get3A_121, %get3A_123 : vector<16xi32>
      %get3A_124 = arith.constant 32 : index
      %get3A_125 = tpu.vector_load %arg16[%get3A_124] {strides = array<i32>} : memref<256xi32, #tpu.memory_space<vmem>>, vector<16xi32>,
      %or3A_126 = arith.ori %or3A, %get3A_125 : vector<16xi32>
      %get3A_127 = arith.constant 48 : index
      %get3A_128 = tpu.vector_load %arg16[%get3A_127] {strides = array<i32>} : memref<256xi32, #tpu.memory_space<vmem>>, vector<16xi32>,
      %or3A_129 = arith.ori %or3A_126, %get3A_128 : vector<16xi32>
      %get3A_130 = arith.constant 64 : index
      %get3A_131 = tpu.vector_load %arg16[%get3A_130] {strides = array<i32>} : memref<256xi32, #tpu.memory_space<vmem>>, vector<16xi32>,
      %or3A_132 = arith.ori %or3A_129, %get3A_131 : vector<16xi32>
      %get3A_133 = arith.constant 80 : index
      %get3A_134 = tpu.vector_load %arg16[%get3A_133] {strides = array<i32>} : memref<256xi32, #tpu.memory_space<vmem>>, vector<16xi32>,
      %or3A_135 = arith.ori %or3A_132, %get3A_134 : vector<16xi32>
      %get3A_136 = arith.constant 96 : index
      %get3A_137 = tpu.vector_load %arg16[%get3A_136] {strides = array<i32>} : memref<256xi32, #tpu.memory_space<vmem>>, vector<16xi32>,
      %or3A_138 = arith.ori %or3A_135, %get3A_137 : vector<16xi32>
      %get3A_139 = arith.constant 112 : index
      %get3A_140 = tpu.vector_load %arg16[%get3A_139] {strides = array<i32>} : memref<256xi32, #tpu.memory_space<vmem>>, vector<16xi32>,
      %or3A_141 = arith.ori %or3A_138, %get3A_140 : vector<16xi32>
      %get3A_142 = arith.constant 128 : index
      %get3A_143 = tpu.vector_load %arg16[%get3A_142] {strides = array<i32>} : memref<256xi32, #tpu.memory_space<vmem>>, vector<16xi32>,
      %or3A_144 = arith.ori %or3A_141, %get3A_143 : vector<16xi32>
      %get3A_145 = arith.constant 144 : index
      %get3A_146 = tpu.vector_load %arg16[%get3A_145] {strides = array<i32>} : memref<256xi32, #tpu.memory_space<vmem>>, vector<16xi32>,
      %or3A_147 = arith.ori %or3A_144, %get3A_146 : vector<16xi32>
      %get3A_148 = arith.constant 160 : index
      %get3A_149 = tpu.vector_load %arg16[%get3A_148] {strides = array<i32>} : memref<256xi32, #tpu.memory_space<vmem>>, vector<16xi32>,
      %or3A_150 = arith.ori %or3A_147, %get3A_149 : vector<16xi32>
      %get3A_151 = arith.constant 176 : index
      %get3A_152 = tpu.vector_load %arg16[%get3A_151] {strides = array<i32>} : memref<256xi32, #tpu.memory_space<vmem>>, vector<16xi32>,
      %or3A_153 = arith.ori %or3A_150, %get3A_152 : vector<16xi32>
      %get3A_154 = arith.constant 192 : index
      %get3A_155 = tpu.vector_load %arg16[%get3A_154] {strides = array<i32>} : memref<256xi32, #tpu.memory_space<vmem>>, vector<16xi32>,
      %or3A_156 = arith.ori %or3A_153, %get3A_155 : vector<16xi32>
      %get3A_157 = arith.constant 208 : index
      %get3A_158 = tpu.vector_load %arg16[%get3A_157] {strides = array<i32>} : memref<256xi32, #tpu.memory_space<vmem>>, vector<16xi32>,
      %or3A_159 = arith.ori %or3A_156, %get3A_158 : vector<16xi32>
      %get3A_160 = arith.constant 224 : index
      %get3A_161 = tpu.vector_load %arg16[%get3A_160] {strides = array<i32>} : memref<256xi32, #tpu.memory_space<vmem>>, vector<16xi32>,
      %or3A_162 = arith.ori %or3A_159, %get3A_161 : vector<16xi32>
      %get3A_163 = arith.constant 240 : index
      %get3A_164 = tpu.vector_load %arg16[%get3A_163] {strides = array<i32>} : memref<256xi32, #tpu.memory_space<vmem>>, vector<16xi32>,
      %or3A_165 = arith.ori %or3A_162, %get3A_164 : vector<16xi32>
      %barrier3A_166 = arith.constant 0 : index
      tpu.barrier barrier_id(%barrier3A_166)
      %reduce_max3A = arith.constant true
      %reduce_max3A_167 = vector.broadcast %reduce_max3A : i1 to vector<16xi1>
      %reduce_max3A_168 = arith.constant -2147483648 : i32
      %reduce_max3A_169 = vector.broadcast %reduce_max3A_168 : i32 to vector<16xi32>
      %reduce_max3A_170 = arith.xori %or3A_165, %reduce_max3A_169 : vector<16xi32>
      %reduce_max3A_171 = tpu.scan <max>, %reduce_max3A_170 masked %reduce_max3A_167 : vector<16xi32>, vector<16xi1> -> vector<16xi32>
      %reduce_max3A_172 = arith.xori %reduce_max3A_171, %reduce_max3A_169 : vector<16xi32>
      %reduce_max3A_173 = vector.extract %reduce_max3A_172[15] : i32 from vector<16xi32>
      %add3A_174 = arith.constant 1 : i32
      %add3A_175 = arith.addi %while3A_98, %add3A_174 : i32
      scf.yield %reduce_max3A_173, %add3A_175 : i32, i32
    }
    %convert_element_type3A_94 = arith.extui %lt3A_0 : i1 to i32
    %cond3A_95 = arith.constant 0 : i32
    %cond3A_96 = arith.cmpi ne, %convert_element_type3A_94, %cond3A_95 : i32
    scf.if %cond3A_96 {
      %mul3A_97 = arith.constant 4096 : i32
      %mul3A_98 = arith.muli %arg0, %mul3A_97 : i32
      tpu.wait_dma2 semaphore(%arg20 : memref<!tpu.dma_semaphore, #tpu.memory_space<semaphore_mem>>) src(%arg2 : memref<4096xi32, #tpu.memory_space<hbm>>) dst(%arg11 : memref<4096xi32, #tpu.memory_space<vmem>>)
      %dma_wait3A_99 = tpu.memref_slice %arg4[%mul3A_98] : memref<8192xi32, #tpu.memory_space<hbm>> -> memref<4096xi32, #tpu.memory_space<hbm>>
      %dma_wait3A_100 = tpu.memref_slice %arg4[%mul3A_98] : memref<8192xi32, #tpu.memory_space<hbm>> -> memref<4096xi32, #tpu.memory_space<hbm>>
      tpu.wait_dma2 semaphore(%arg20 : memref<!tpu.dma_semaphore, #tpu.memory_space<semaphore_mem>>) src(%dma_wait3A_100 : memref<4096xi32, #tpu.memory_space<hbm>>) dst(%arg12 : memref<4096xi32, #tpu.memory_space<vmem>>)
      %dma_wait3A_101 = tpu.memref_slice %arg3[%add3A_66] : memref<24576xf32, #tpu.memory_space<hbm>> -> memref<4096xf32, #tpu.memory_space<hbm>>
      %dma_wait3A_102 = tpu.memref_slice %arg3[%add3A_66] : memref<24576xf32, #tpu.memory_space<hbm>> -> memref<4096xf32, #tpu.memory_space<hbm>>
      tpu.wait_dma2 semaphore(%arg20 : memref<!tpu.dma_semaphore, #tpu.memory_space<semaphore_mem>>) src(%dma_wait3A_102 : memref<4096xf32, #tpu.memory_space<hbm>>) dst(%arg13 : memref<4096xf32, #tpu.memory_space<vmem>>)
      tpu.wait_dma2 semaphore(%arg20 : memref<!tpu.dma_semaphore, #tpu.memory_space<semaphore_mem>>) src(%arg7 : memref<12672xf32, #tpu.memory_space<hbm>>) dst(%arg14 : memref<12672xf32, #tpu.memory_space<vmem>>)
      %broadcast_in_dim3A_103 = arith.constant 1.000000e+00 : f32
      %broadcast_in_dim3A_104 = vector.broadcast %broadcast_in_dim3A_103 : f32 to vector<16xf32>
      %eq3A = arith.constant 0 : i32
      %eq3A_105 = arith.cmpi eq, %arg1, %eq3A : i32
      %scan3A = arith.constant 0 : i32
      %scan3A_106 = arith.constant 0 : i32
      %scan3A_107 = arith.constant 128 : i32
      %scan3A_108 = arith.addi %scan3A_106, %scan3A_107 : i32
      %scan3A_109 = arith.constant 1 : i32
      scf.for %scan3A_116 = %scan3A_106 to %scan3A_108 step %scan3A_109  : i32 {
        %mul3A_117 = arith.constant 2 : i32
        %mul3A_118 = arith.muli %mul3A_117, %scan3A_116 : i32
        %add3A_119 = arith.constant 0 : i32
        %add3A_120 = arith.addi %mul3A_118, %add3A_119 : i32
        %mul3A_121 = arith.constant 16 : i32
        %mul3A_122 = arith.muli %add3A_120, %mul3A_121 : i32
        %add3A_123 = arith.constant 64 : i32
        %add3A_124 = arith.addi %add3A_123, %mul3A_122 : i32
        %get3A = arith.index_cast %add3A_124 : i32 to index
        %get3A_125 = tpu.vector_load %arg9[%get3A] {strides = array<i32>} : memref<4224xi32, #tpu.memory_space<vmem>>, vector<16xi32>,
        %get3A_126 = arith.index_cast %mul3A_122 : i32 to index
        %get3A_127 = tpu.vector_load %arg12[%get3A_126] {strides = array<i32>} : memref<4096xi32, #tpu.memory_space<vmem>>, vector<16xi32>,
        %get3A_128 = arith.index_cast %mul3A_122 : i32 to index
        %get3A_129 = tpu.vector_load %arg11[%get3A_128] {strides = array<i32>} : memref<4096xi32, #tpu.memory_space<vmem>>, vector<16xi32>,
        %get3A_130 = arith.index_cast %mul3A_122 : i32 to index
        %get3A_131 = tpu.vector_load %arg13[%get3A_130] {strides = array<i32>} : memref<4096xf32, #tpu.memory_space<vmem>>, vector<16xf32>,
        %select_n3A = arith.select %eq3A_105, %broadcast_in_dim3A_104, %get3A_131 : vector<16xf32>
        %and3A = arith.constant 16 : i32
        %and3A_132 = vector.broadcast %and3A : i32 to vector<16xi32>
        %and3A_133 = arith.andi %get3A_127, %and3A_132 : vector<16xi32>
        %gt3A = arith.constant 0 : i32
        %gt3A_134 = vector.broadcast %gt3A : i32 to vector<16xi32>
        %gt3A_135 = arith.cmpi sgt, %and3A_133, %gt3A_134 : vector<16xi32>
        %jit3A = arith.constant -1 : i32
        %broadcast_in_dim3A_136 = vector.broadcast %jit3A : i32 to vector<16xi32>
        %select_n3A_137 = arith.select %gt3A_135, %get3A_125, %broadcast_in_dim3A_136 : vector<16xi1>, vector<16xi32>
        %mul3A_138 = arith.constant 4224 : i32
        %mul3A_139 = vector.broadcast %mul3A_138 : i32 to vector<16xi32>
        %mul3A_140 = arith.muli %get3A_129, %mul3A_139 : vector<16xi32>
        %add3A_141 = arith.constant 1 : i32
        %add3A_142 = vector.broadcast %add3A_141 : i32 to vector<16xi32>
        %add3A_143 = arith.addi %select_n3A_137, %add3A_142 : vector<16xi32>
        %add3A_144 = arith.addi %mul3A_140, %add3A_143 : vector<16xi32>
        tpu.vector_store_idx %arg14[%add3A_144], %select_n3A {add = true} : memref<12672xf32, #tpu.memory_space<vmem>>[vector<16xi32>], vector<16xf32>,
        %mul3A_145 = arith.constant 2 : i32
        %mul3A_146 = arith.muli %mul3A_145, %scan3A_116 : i32
        %add3A_147 = arith.constant 1 : i32
        %add3A_148 = arith.addi %mul3A_146, %add3A_147 : i32
        %mul3A_149 = arith.constant 16 : i32
        %mul3A_150 = arith.muli %add3A_148, %mul3A_149 : i32
        %add3A_151 = arith.constant 64 : i32
        %add3A_152 = arith.addi %add3A_151, %mul3A_150 : i32
        %get3A_153 = arith.index_cast %add3A_152 : i32 to index
        %get3A_154 = tpu.vector_load %arg9[%get3A_153] {strides = array<i32>} : memref<4224xi32, #tpu.memory_space<vmem>>, vector<16xi32>,
        %get3A_155 = arith.index_cast %mul3A_150 : i32 to index
        %get3A_156 = tpu.vector_load %arg12[%get3A_155] {strides = array<i32>} : memref<4096xi32, #tpu.memory_space<vmem>>, vector<16xi32>,
        %get3A_157 = arith.index_cast %mul3A_150 : i32 to index
        %get3A_158 = tpu.vector_load %arg11[%get3A_157] {strides = array<i32>} : memref<4096xi32, #tpu.memory_space<vmem>>, vector<16xi32>,
        %get3A_159 = arith.index_cast %mul3A_150 : i32 to index
        %get3A_160 = tpu.vector_load %arg13[%get3A_159] {strides = array<i32>} : memref<4096xf32, #tpu.memory_space<vmem>>, vector<16xf32>,
        %select_n3A_161 = arith.select %eq3A_105, %broadcast_in_dim3A_104, %get3A_160 : vector<16xf32>
        %and3A_162 = arith.constant 16 : i32
        %and3A_163 = vector.broadcast %and3A_162 : i32 to vector<16xi32>
        %and3A_164 = arith.andi %get3A_156, %and3A_163 : vector<16xi32>
        %gt3A_165 = arith.constant 0 : i32
        %gt3A_166 = vector.broadcast %gt3A_165 : i32 to vector<16xi32>
        %gt3A_167 = arith.cmpi sgt, %and3A_164, %gt3A_166 : vector<16xi32>
        %jit3A_168 = arith.constant -1 : i32
        %broadcast_in_dim3A_169 = vector.broadcast %jit3A_168 : i32 to vector<16xi32>
        %select_n3A_170 = arith.select %gt3A_167, %get3A_154, %broadcast_in_dim3A_169 : vector<16xi1>, vector<16xi32>
        %mul3A_171 = arith.constant 4224 : i32
        %mul3A_172 = vector.broadcast %mul3A_171 : i32 to vector<16xi32>
        %mul3A_173 = arith.muli %get3A_158, %mul3A_172 : vector<16xi32>
        %add3A_174 = arith.constant 1 : i32
        %add3A_175 = vector.broadcast %add3A_174 : i32 to vector<16xi32>
        %add3A_176 = arith.addi %select_n3A_170, %add3A_175 : vector<16xi32>
        %add3A_177 = arith.addi %mul3A_173, %add3A_176 : vector<16xi32>
        tpu.vector_store_idx %arg14[%add3A_177], %select_n3A_161 {add = true} : memref<12672xf32, #tpu.memory_space<vmem>>[vector<16xi32>], vector<16xf32>,
      }
      %scan3A_110 = arith.constant 128 : i32
      %mul3A_111 = arith.constant 4 : i32
      %mul3A_112 = arith.muli %arg0, %mul3A_111 : i32
      %add3A_113 = arith.addi %mul3A_112, %arg1 : i32
      %mul3A_114 = arith.constant 12672 : i32
      %mul3A_115 = arith.muli %add3A_113, %mul3A_114 : i32
      "tpu.region"() ({
        %run_scoped3A = tpu.sem_alloc : memref<!tpu.dma_semaphore, #tpu.memory_space<semaphore_mem>>
        %dma_start3A_116 = tpu.memref_slice %arg8[%mul3A_115] : memref<101376xf32, #tpu.memory_space<hbm>> -> memref<12672xf32, #tpu.memory_space<hbm>>
        %dma_start3A_117 = tpu.memref_slice %arg8[%mul3A_115] : memref<101376xf32, #tpu.memory_space<hbm>> -> memref<12672xf32, #tpu.memory_space<hbm>>
        tpu.enqueue_dma source(%arg14 : memref<12672xf32, #tpu.memory_space<vmem>>) target(%dma_start3A_117 : memref<12672xf32, #tpu.memory_space<hbm>>) target_semaphore(%run_scoped3A : memref<!tpu.dma_semaphore, #tpu.memory_space<semaphore_mem>>)
        %dma_wait3A_118 = tpu.memref_slice %arg8[%mul3A_115] : memref<101376xf32, #tpu.memory_space<hbm>> -> memref<12672xf32, #tpu.memory_space<hbm>>
        %dma_wait3A_119 = tpu.memref_slice %arg8[%mul3A_115] : memref<101376xf32, #tpu.memory_space<hbm>> -> memref<12672xf32, #tpu.memory_space<hbm>>
        tpu.wait_dma2 semaphore(%run_scoped3A : memref<!tpu.dma_semaphore, #tpu.memory_space<semaphore_mem>>) src(%arg14 : memref<12672xf32, #tpu.memory_space<vmem>>) dst(%dma_wait3A_119 : memref<12672xf32, #tpu.memory_space<hbm>>)
        tpu.yield
      }) : () -> ()
    } else {
    }
    return
  }
}

module attributes {stable_mosaic.version = 14 : i64} {
  func.func @_tc1_body(%arg0: memref<3x4096xf32, #tpu.memory_space<vmem>>, %arg1: memref<1x4096xi32, #tpu.memory_space<vmem>>, %arg2: memref<6x4096xf32, #tpu.memory_space<vmem>>, %arg3: memref<2x4096xi32, #tpu.memory_space<vmem>>, %arg4: memref<8x4096xi32, #tpu.memory_space<vmem>>, %arg5: memref<1x128xf32, #tpu.memory_space<vmem>>) attributes {dimension_semantics = [], scalar_prefetch = 0 : i64, scratch_operands = 0 : i64, tpu.core_type = #tpu.core_type<tc>} {
    %get3A = arith.constant 0 : index
    %get3A_0 = arith.constant 0 : index
    %get3A_1 = vector.load %arg0[%get3A, %get3A_0] : memref<3x4096xf32, #tpu.memory_space<vmem>>, vector<3x4096xf32>
    %get3A_2 = arith.constant 0 : index
    %get3A_3 = arith.constant 0 : index
    %get3A_4 = vector.load %arg1[%get3A_2, %get3A_3] : memref<1x4096xi32, #tpu.memory_space<vmem>>, vector<1x4096xi32>
    %slice3A = vector.extract_strided_slice %get3A_1 {offsets = [0, 0], sizes = [1, 4096], strides = [1, 1]} : vector<3x4096xf32> to vector<1x4096xf32>
    %slice3A_5 = vector.extract_strided_slice %get3A_1 {offsets = [1, 0], sizes = [1, 4096], strides = [1, 1]} : vector<3x4096xf32> to vector<1x4096xf32>
    %slice3A_6 = vector.extract_strided_slice %get3A_1 {offsets = [2, 0], sizes = [1, 4096], strides = [1, 1]} : vector<3x4096xf32> to vector<1x4096xf32>
    %broadcast_in_dim3A = arith.constant 0 : i32
    %broadcast_in_dim3A_7 = vector.broadcast %broadcast_in_dim3A : i32 to vector<1x4096xi32>
    %gt3A = arith.cmpf ogt, %slice3A_5, %slice3A : vector<1x4096xf32>
    %jit3A = arith.constant 1 : i32
    %broadcast_in_dim3A_8 = vector.broadcast %jit3A : i32 to vector<1x4096xi32>
    %select_n3A = arith.select %gt3A, %broadcast_in_dim3A_8, %broadcast_in_dim3A_7 : vector<1x4096xi1>, vector<1x4096xi32>
    %select_n3A_9 = arith.select %gt3A, %slice3A_5, %slice3A : vector<1x4096xi1>, vector<1x4096xf32>
    %gt3A_10 = arith.cmpf ogt, %slice3A_6, %select_n3A_9 : vector<1x4096xf32>
    %jit3A_11 = arith.constant 2 : i32
    %broadcast_in_dim3A_12 = vector.broadcast %jit3A_11 : i32 to vector<1x4096xi32>
    %select_n3A_13 = arith.select %gt3A_10, %broadcast_in_dim3A_12, %select_n3A : vector<1x4096xi1>, vector<1x4096xi32>
    %iota3A = tpu.iota {dimensions = array<i32: 1>} : vector<1x4096xi32>
    %rem3A = arith.constant 64 : i32
    %rem3A_14 = vector.broadcast %rem3A : i32 to vector<1x4096xi32>
    %rem3A_15 = arith.remsi %iota3A, %rem3A_14 : vector<1x4096xi32>
    %broadcast_in_dim3A_16 = arith.constant 0 : i32
    %broadcast_in_dim3A_17 = vector.broadcast %broadcast_in_dim3A_16 : i32 to vector<1x1xi32>
    %eq3A = arith.constant 1 : i32
    %eq3A_18 = vector.broadcast %eq3A : i32 to vector<1x4096xi32>
    %eq3A_19 = arith.cmpi eq, %select_n3A_13, %eq3A_18 : vector<1x4096xi32>
    %convert_element_type3A = arith.extui %eq3A_19 : vector<1x4096xi1> to vector<1x4096xi32>
    %broadcast_in_dim3A_20 = vector.shape_cast %broadcast_in_dim3A_17 : vector<1x1xi32> to vector<1x1x1xi32>
    %broadcast_in_dim3A_21 = vector.broadcast %broadcast_in_dim3A_20 : vector<1x1x1xi32> to vector<1x1x64xi32>
    %reshape3A = vector.shape_cast %broadcast_in_dim3A_21 : vector<1x1x64xi32> to vector<1x64xi32>
    %slice3A_22 = vector.extract_strided_slice %convert_element_type3A {offsets = [0, 0], sizes = [1, 4032], strides = [1, 1]} : vector<1x4096xi32> to vector<1x4032xi32>
    %concatenate3A = tpu.concatenate %reshape3A, %slice3A_22 in 1 : vector<1x64xi32>, vector<1x4032xi32> -> vector<1x4096xi32>
    %ge3A = arith.constant 64 : i32
    %ge3A_23 = vector.broadcast %ge3A : i32 to vector<1x4096xi32>
    %ge3A_24 = arith.cmpi sge, %iota3A, %ge3A_23 : vector<1x4096xi32>
    %slice3A_25 = vector.extract_strided_slice %convert_element_type3A {offsets = [0, 64], sizes = [1, 4032], strides = [1, 1]} : vector<1x4096xi32> to vector<1x4032xi32>
    %broadcast_in_dim3A_26 = vector.shape_cast %broadcast_in_dim3A_17 : vector<1x1xi32> to vector<1x1x1xi32>
    %broadcast_in_dim3A_27 = vector.broadcast %broadcast_in_dim3A_26 : vector<1x1x1xi32> to vector<1x1x64xi32>
    %reshape3A_28 = vector.shape_cast %broadcast_in_dim3A_27 : vector<1x1x64xi32> to vector<1x64xi32>
    %concatenate3A_29 = tpu.concatenate %slice3A_25, %reshape3A_28 in 1 : vector<1x4032xi32>, vector<1x64xi32> -> vector<1x4096xi32>
    %lt3A = arith.constant 4032 : i32
    %lt3A_30 = vector.broadcast %lt3A : i32 to vector<1x4096xi32>
    %lt3A_31 = arith.cmpi slt, %iota3A, %lt3A_30 : vector<1x4096xi32>
    %slice3A_32 = vector.extract_strided_slice %convert_element_type3A {offsets = [0, 0], sizes = [1, 4095], strides = [1, 1]} : vector<1x4096xi32> to vector<1x4095xi32>
    %concatenate3A_33 = tpu.concatenate %broadcast_in_dim3A_17, %slice3A_32 in 1 : vector<1x1xi32>, vector<1x4095xi32> -> vector<1x4096xi32>
    %gt3A_34 = arith.constant 0 : i32
    %gt3A_35 = vector.broadcast %gt3A_34 : i32 to vector<1x4096xi32>
    %gt3A_36 = arith.cmpi sgt, %rem3A_15, %gt3A_35 : vector<1x4096xi32>
    %slice3A_37 = vector.extract_strided_slice %convert_element_type3A {offsets = [0, 1], sizes = [1, 4095], strides = [1, 1]} : vector<1x4096xi32> to vector<1x4095xi32>
    %concatenate3A_38 = tpu.concatenate %slice3A_37, %broadcast_in_dim3A_17 in 1 : vector<1x4095xi32>, vector<1x1xi32> -> vector<1x4096xi32>
    %lt3A_39 = arith.constant 63 : i32
    %lt3A_40 = vector.broadcast %lt3A_39 : i32 to vector<1x4096xi32>
    %lt3A_41 = arith.cmpi slt, %rem3A_15, %lt3A_40 : vector<1x4096xi32>
    %gt3A_42 = arith.constant 0 : i32
    %gt3A_43 = vector.broadcast %gt3A_42 : i32 to vector<1x4096xi32>
    %gt3A_44 = arith.cmpi sgt, %convert_element_type3A, %gt3A_43 : vector<1x4096xi32>
    %jit3A_45 = arith.constant 16 : i32
    %jit3A_46 = arith.constant 0 : i32
    %broadcast_in_dim3A_47 = vector.broadcast %jit3A_45 : i32 to vector<1x4096xi32>
    %broadcast_in_dim3A_48 = vector.broadcast %jit3A_46 : i32 to vector<1x4096xi32>
    %select_n3A_49 = arith.select %gt3A_44, %broadcast_in_dim3A_47, %broadcast_in_dim3A_48 : vector<1x4096xi1>, vector<1x4096xi32>
    %swap3A = arith.constant 0 : index
    %swap3A_50 = arith.constant 0 : index
    %swap3A_51 = vector.load %arg3[%swap3A, %swap3A_50] : memref<2x4096xi32, #tpu.memory_space<vmem>>, vector<1x4096xi32>
    tpu.vector_store %arg3[%swap3A, %swap3A_50], %select_n3A_49 {strides = array<i32>} : memref<2x4096xi32, #tpu.memory_space<vmem>>, vector<1x4096xi32>,
    %gt3A_52 = arith.constant 0 : i32
    %gt3A_53 = vector.broadcast %gt3A_52 : i32 to vector<1x4096xi32>
    %gt3A_54 = arith.cmpi sgt, %concatenate3A, %gt3A_53 : vector<1x4096xi32>
    %and3A = arith.andi %ge3A_24, %gt3A_54 : vector<1x4096xi1>
    %gt3A_55 = arith.constant 0 : i32
    %gt3A_56 = vector.broadcast %gt3A_55 : i32 to vector<1x4096xi32>
    %gt3A_57 = arith.cmpi sgt, %convert_element_type3A, %gt3A_56 : vector<1x4096xi32>
    %and3A_58 = arith.andi %and3A, %gt3A_57 : vector<1x4096xi1>
    %not3A = arith.constant dense<true> : vector<1x4096xi1>
    %not3A_59 = arith.xori %and3A_58, %not3A : vector<1x4096xi1>
    %jit3A_60 = arith.constant 4096 : i32
    %jit3A_61 = arith.constant 0 : i32
    %broadcast_in_dim3A_62 = vector.broadcast %jit3A_60 : i32 to vector<1x4096xi32>
    %broadcast_in_dim3A_63 = vector.broadcast %jit3A_61 : i32 to vector<1x4096xi32>
    %select_n3A_64 = arith.select %not3A_59, %broadcast_in_dim3A_62, %broadcast_in_dim3A_63 : vector<1x4096xi1>, vector<1x4096xi32>
    %swap3A_65 = arith.constant 0 : index
    %swap3A_66 = arith.constant 0 : index
    %swap3A_67 = vector.load %arg4[%swap3A_65, %swap3A_66] : memref<8x4096xi32, #tpu.memory_space<vmem>>, vector<1x4096xi32>
    tpu.vector_store %arg4[%swap3A_65, %swap3A_66], %select_n3A_64 {strides = array<i32>} : memref<8x4096xi32, #tpu.memory_space<vmem>>, vector<1x4096xi32>,
    %gt3A_68 = arith.constant 0 : i32
    %gt3A_69 = vector.broadcast %gt3A_68 : i32 to vector<1x4096xi32>
    %gt3A_70 = arith.cmpi sgt, %concatenate3A_29, %gt3A_69 : vector<1x4096xi32>
    %and3A_71 = arith.andi %lt3A_31, %gt3A_70 : vector<1x4096xi1>
    %gt3A_72 = arith.constant 0 : i32
    %gt3A_73 = vector.broadcast %gt3A_72 : i32 to vector<1x4096xi32>
    %gt3A_74 = arith.cmpi sgt, %convert_element_type3A, %gt3A_73 : vector<1x4096xi32>
    %and3A_75 = arith.andi %and3A_71, %gt3A_74 : vector<1x4096xi1>
    %not3A_76 = arith.constant dense<true> : vector<1x4096xi1>
    %not3A_77 = arith.xori %and3A_75, %not3A_76 : vector<1x4096xi1>
    %jit3A_78 = arith.constant 4096 : i32
    %jit3A_79 = arith.constant 0 : i32
    %broadcast_in_dim3A_80 = vector.broadcast %jit3A_78 : i32 to vector<1x4096xi32>
    %broadcast_in_dim3A_81 = vector.broadcast %jit3A_79 : i32 to vector<1x4096xi32>
    %select_n3A_82 = arith.select %not3A_77, %broadcast_in_dim3A_80, %broadcast_in_dim3A_81 : vector<1x4096xi1>, vector<1x4096xi32>
    %swap3A_83 = arith.constant 1 : index
    %swap3A_84 = arith.constant 0 : index
    %swap3A_85 = vector.load %arg4[%swap3A_83, %swap3A_84] : memref<8x4096xi32, #tpu.memory_space<vmem>>, vector<1x4096xi32>
    tpu.vector_store %arg4[%swap3A_83, %swap3A_84], %select_n3A_82 {strides = array<i32>} : memref<8x4096xi32, #tpu.memory_space<vmem>>, vector<1x4096xi32>,
    %gt3A_86 = arith.constant 0 : i32
    %gt3A_87 = vector.broadcast %gt3A_86 : i32 to vector<1x4096xi32>
    %gt3A_88 = arith.cmpi sgt, %concatenate3A_33, %gt3A_87 : vector<1x4096xi32>
    %and3A_89 = arith.andi %gt3A_36, %gt3A_88 : vector<1x4096xi1>
    %gt3A_90 = arith.constant 0 : i32
    %gt3A_91 = vector.broadcast %gt3A_90 : i32 to vector<1x4096xi32>
    %gt3A_92 = arith.cmpi sgt, %convert_element_type3A, %gt3A_91 : vector<1x4096xi32>
    %and3A_93 = arith.andi %and3A_89, %gt3A_92 : vector<1x4096xi1>
    %not3A_94 = arith.constant dense<true> : vector<1x4096xi1>
    %not3A_95 = arith.xori %and3A_93, %not3A_94 : vector<1x4096xi1>
    %jit3A_96 = arith.constant 4096 : i32
    %jit3A_97 = arith.constant 0 : i32
    %broadcast_in_dim3A_98 = vector.broadcast %jit3A_96 : i32 to vector<1x4096xi32>
    %broadcast_in_dim3A_99 = vector.broadcast %jit3A_97 : i32 to vector<1x4096xi32>
    %select_n3A_100 = arith.select %not3A_95, %broadcast_in_dim3A_98, %broadcast_in_dim3A_99 : vector<1x4096xi1>, vector<1x4096xi32>
    %swap3A_101 = arith.constant 2 : index
    %swap3A_102 = arith.constant 0 : index
    %swap3A_103 = vector.load %arg4[%swap3A_101, %swap3A_102] : memref<8x4096xi32, #tpu.memory_space<vmem>>, vector<1x4096xi32>
    tpu.vector_store %arg4[%swap3A_101, %swap3A_102], %select_n3A_100 {strides = array<i32>} : memref<8x4096xi32, #tpu.memory_space<vmem>>, vector<1x4096xi32>,
    %gt3A_104 = arith.constant 0 : i32
    %gt3A_105 = vector.broadcast %gt3A_104 : i32 to vector<1x4096xi32>
    %gt3A_106 = arith.cmpi sgt, %concatenate3A_38, %gt3A_105 : vector<1x4096xi32>
    %and3A_107 = arith.andi %lt3A_41, %gt3A_106 : vector<1x4096xi1>
    %gt3A_108 = arith.constant 0 : i32
    %gt3A_109 = vector.broadcast %gt3A_108 : i32 to vector<1x4096xi32>
    %gt3A_110 = arith.cmpi sgt, %convert_element_type3A, %gt3A_109 : vector<1x4096xi32>
    %and3A_111 = arith.andi %and3A_107, %gt3A_110 : vector<1x4096xi1>
    %not3A_112 = arith.constant dense<true> : vector<1x4096xi1>
    %not3A_113 = arith.xori %and3A_111, %not3A_112 : vector<1x4096xi1>
    %jit3A_114 = arith.constant 4096 : i32
    %jit3A_115 = arith.constant 0 : i32
    %broadcast_in_dim3A_116 = vector.broadcast %jit3A_114 : i32 to vector<1x4096xi32>
    %broadcast_in_dim3A_117 = vector.broadcast %jit3A_115 : i32 to vector<1x4096xi32>
    %select_n3A_118 = arith.select %not3A_113, %broadcast_in_dim3A_116, %broadcast_in_dim3A_117 : vector<1x4096xi1>, vector<1x4096xi32>
    %swap3A_119 = arith.constant 3 : index
    %swap3A_120 = arith.constant 0 : index
    %swap3A_121 = vector.load %arg4[%swap3A_119, %swap3A_120] : memref<8x4096xi32, #tpu.memory_space<vmem>>, vector<1x4096xi32>
    tpu.vector_store %arg4[%swap3A_119, %swap3A_120], %select_n3A_118 {strides = array<i32>} : memref<8x4096xi32, #tpu.memory_space<vmem>>, vector<1x4096xi32>,
    %eq3A_122 = arith.constant 2 : i32
    %eq3A_123 = vector.broadcast %eq3A_122 : i32 to vector<1x4096xi32>
    %eq3A_124 = arith.cmpi eq, %select_n3A_13, %eq3A_123 : vector<1x4096xi32>
    %convert_element_type3A_125 = arith.extui %eq3A_124 : vector<1x4096xi1> to vector<1x4096xi32>
    %broadcast_in_dim3A_126 = vector.shape_cast %broadcast_in_dim3A_17 : vector<1x1xi32> to vector<1x1x1xi32>
    %broadcast_in_dim3A_127 = vector.broadcast %broadcast_in_dim3A_126 : vector<1x1x1xi32> to vector<1x1x64xi32>
    %reshape3A_128 = vector.shape_cast %broadcast_in_dim3A_127 : vector<1x1x64xi32> to vector<1x64xi32>
    %slice3A_129 = vector.extract_strided_slice %convert_element_type3A_125 {offsets = [0, 0], sizes = [1, 4032], strides = [1, 1]} : vector<1x4096xi32> to vector<1x4032xi32>
    %concatenate3A_130 = tpu.concatenate %reshape3A_128, %slice3A_129 in 1 : vector<1x64xi32>, vector<1x4032xi32> -> vector<1x4096xi32>
    %ge3A_131 = arith.constant 64 : i32
    %ge3A_132 = vector.broadcast %ge3A_131 : i32 to vector<1x4096xi32>
    %ge3A_133 = arith.cmpi sge, %iota3A, %ge3A_132 : vector<1x4096xi32>
    %slice3A_134 = vector.extract_strided_slice %convert_element_type3A_125 {offsets = [0, 64], sizes = [1, 4032], strides = [1, 1]} : vector<1x4096xi32> to vector<1x4032xi32>
    %broadcast_in_dim3A_135 = vector.shape_cast %broadcast_in_dim3A_17 : vector<1x1xi32> to vector<1x1x1xi32>
    %broadcast_in_dim3A_136 = vector.broadcast %broadcast_in_dim3A_135 : vector<1x1x1xi32> to vector<1x1x64xi32>
    %reshape3A_137 = vector.shape_cast %broadcast_in_dim3A_136 : vector<1x1x64xi32> to vector<1x64xi32>
    %concatenate3A_138 = tpu.concatenate %slice3A_134, %reshape3A_137 in 1 : vector<1x4032xi32>, vector<1x64xi32> -> vector<1x4096xi32>
    %lt3A_139 = arith.constant 4032 : i32
    %lt3A_140 = vector.broadcast %lt3A_139 : i32 to vector<1x4096xi32>
    %lt3A_141 = arith.cmpi slt, %iota3A, %lt3A_140 : vector<1x4096xi32>
    %slice3A_142 = vector.extract_strided_slice %convert_element_type3A_125 {offsets = [0, 0], sizes = [1, 4095], strides = [1, 1]} : vector<1x4096xi32> to vector<1x4095xi32>
    %concatenate3A_143 = tpu.concatenate %broadcast_in_dim3A_17, %slice3A_142 in 1 : vector<1x1xi32>, vector<1x4095xi32> -> vector<1x4096xi32>
    %gt3A_144 = arith.constant 0 : i32
    %gt3A_145 = vector.broadcast %gt3A_144 : i32 to vector<1x4096xi32>
    %gt3A_146 = arith.cmpi sgt, %rem3A_15, %gt3A_145 : vector<1x4096xi32>
    %slice3A_147 = vector.extract_strided_slice %convert_element_type3A_125 {offsets = [0, 1], sizes = [1, 4095], strides = [1, 1]} : vector<1x4096xi32> to vector<1x4095xi32>
    %concatenate3A_148 = tpu.concatenate %slice3A_147, %broadcast_in_dim3A_17 in 1 : vector<1x4095xi32>, vector<1x1xi32> -> vector<1x4096xi32>
    %lt3A_149 = arith.constant 63 : i32
    %lt3A_150 = vector.broadcast %lt3A_149 : i32 to vector<1x4096xi32>
    %lt3A_151 = arith.cmpi slt, %rem3A_15, %lt3A_150 : vector<1x4096xi32>
    %gt3A_152 = arith.constant 0 : i32
    %gt3A_153 = vector.broadcast %gt3A_152 : i32 to vector<1x4096xi32>
    %gt3A_154 = arith.cmpi sgt, %convert_element_type3A_125, %gt3A_153 : vector<1x4096xi32>
    %jit3A_155 = arith.constant 16 : i32
    %jit3A_156 = arith.constant 0 : i32
    %broadcast_in_dim3A_157 = vector.broadcast %jit3A_155 : i32 to vector<1x4096xi32>
    %broadcast_in_dim3A_158 = vector.broadcast %jit3A_156 : i32 to vector<1x4096xi32>
    %select_n3A_159 = arith.select %gt3A_154, %broadcast_in_dim3A_157, %broadcast_in_dim3A_158 : vector<1x4096xi1>, vector<1x4096xi32>
    %swap3A_160 = arith.constant 1 : index
    %swap3A_161 = arith.constant 0 : index
    %swap3A_162 = vector.load %arg3[%swap3A_160, %swap3A_161] : memref<2x4096xi32, #tpu.memory_space<vmem>>, vector<1x4096xi32>
    tpu.vector_store %arg3[%swap3A_160, %swap3A_161], %select_n3A_159 {strides = array<i32>} : memref<2x4096xi32, #tpu.memory_space<vmem>>, vector<1x4096xi32>,
    %gt3A_163 = arith.constant 0 : i32
    %gt3A_164 = vector.broadcast %gt3A_163 : i32 to vector<1x4096xi32>
    %gt3A_165 = arith.cmpi sgt, %concatenate3A_130, %gt3A_164 : vector<1x4096xi32>
    %and3A_166 = arith.andi %ge3A_133, %gt3A_165 : vector<1x4096xi1>
    %gt3A_167 = arith.constant 0 : i32
    %gt3A_168 = vector.broadcast %gt3A_167 : i32 to vector<1x4096xi32>
    %gt3A_169 = arith.cmpi sgt, %convert_element_type3A_125, %gt3A_168 : vector<1x4096xi32>
    %and3A_170 = arith.andi %and3A_166, %gt3A_169 : vector<1x4096xi1>
    %not3A_171 = arith.constant dense<true> : vector<1x4096xi1>
    %not3A_172 = arith.xori %and3A_170, %not3A_171 : vector<1x4096xi1>
    %jit3A_173 = arith.constant 4096 : i32
    %jit3A_174 = arith.constant 0 : i32
    %broadcast_in_dim3A_175 = vector.broadcast %jit3A_173 : i32 to vector<1x4096xi32>
    %broadcast_in_dim3A_176 = vector.broadcast %jit3A_174 : i32 to vector<1x4096xi32>
    %select_n3A_177 = arith.select %not3A_172, %broadcast_in_dim3A_175, %broadcast_in_dim3A_176 : vector<1x4096xi1>, vector<1x4096xi32>
    %swap3A_178 = arith.constant 4 : index
    %swap3A_179 = arith.constant 0 : index
    %swap3A_180 = vector.load %arg4[%swap3A_178, %swap3A_179] : memref<8x4096xi32, #tpu.memory_space<vmem>>, vector<1x4096xi32>
    tpu.vector_store %arg4[%swap3A_178, %swap3A_179], %select_n3A_177 {strides = array<i32>} : memref<8x4096xi32, #tpu.memory_space<vmem>>, vector<1x4096xi32>,
    %gt3A_181 = arith.constant 0 : i32
    %gt3A_182 = vector.broadcast %gt3A_181 : i32 to vector<1x4096xi32>
    %gt3A_183 = arith.cmpi sgt, %concatenate3A_138, %gt3A_182 : vector<1x4096xi32>
    %and3A_184 = arith.andi %lt3A_141, %gt3A_183 : vector<1x4096xi1>
    %gt3A_185 = arith.constant 0 : i32
    %gt3A_186 = vector.broadcast %gt3A_185 : i32 to vector<1x4096xi32>
    %gt3A_187 = arith.cmpi sgt, %convert_element_type3A_125, %gt3A_186 : vector<1x4096xi32>
    %and3A_188 = arith.andi %and3A_184, %gt3A_187 : vector<1x4096xi1>
    %not3A_189 = arith.constant dense<true> : vector<1x4096xi1>
    %not3A_190 = arith.xori %and3A_188, %not3A_189 : vector<1x4096xi1>
    %jit3A_191 = arith.constant 4096 : i32
    %jit3A_192 = arith.constant 0 : i32
    %broadcast_in_dim3A_193 = vector.broadcast %jit3A_191 : i32 to vector<1x4096xi32>
    %broadcast_in_dim3A_194 = vector.broadcast %jit3A_192 : i32 to vector<1x4096xi32>
    %select_n3A_195 = arith.select %not3A_190, %broadcast_in_dim3A_193, %broadcast_in_dim3A_194 : vector<1x4096xi1>, vector<1x4096xi32>
    %swap3A_196 = arith.constant 5 : index
    %swap3A_197 = arith.constant 0 : index
    %swap3A_198 = vector.load %arg4[%swap3A_196, %swap3A_197] : memref<8x4096xi32, #tpu.memory_space<vmem>>, vector<1x4096xi32>
    tpu.vector_store %arg4[%swap3A_196, %swap3A_197], %select_n3A_195 {strides = array<i32>} : memref<8x4096xi32, #tpu.memory_space<vmem>>, vector<1x4096xi32>,
    %gt3A_199 = arith.constant 0 : i32
    %gt3A_200 = vector.broadcast %gt3A_199 : i32 to vector<1x4096xi32>
    %gt3A_201 = arith.cmpi sgt, %concatenate3A_143, %gt3A_200 : vector<1x4096xi32>
    %and3A_202 = arith.andi %gt3A_146, %gt3A_201 : vector<1x4096xi1>
    %gt3A_203 = arith.constant 0 : i32
    %gt3A_204 = vector.broadcast %gt3A_203 : i32 to vector<1x4096xi32>
    %gt3A_205 = arith.cmpi sgt, %convert_element_type3A_125, %gt3A_204 : vector<1x4096xi32>
    %and3A_206 = arith.andi %and3A_202, %gt3A_205 : vector<1x4096xi1>
    %not3A_207 = arith.constant dense<true> : vector<1x4096xi1>
    %not3A_208 = arith.xori %and3A_206, %not3A_207 : vector<1x4096xi1>
    %jit3A_209 = arith.constant 4096 : i32
    %jit3A_210 = arith.constant 0 : i32
    %broadcast_in_dim3A_211 = vector.broadcast %jit3A_209 : i32 to vector<1x4096xi32>
    %broadcast_in_dim3A_212 = vector.broadcast %jit3A_210 : i32 to vector<1x4096xi32>
    %select_n3A_213 = arith.select %not3A_208, %broadcast_in_dim3A_211, %broadcast_in_dim3A_212 : vector<1x4096xi1>, vector<1x4096xi32>
    %swap3A_214 = arith.constant 6 : index
    %swap3A_215 = arith.constant 0 : index
    %swap3A_216 = vector.load %arg4[%swap3A_214, %swap3A_215] : memref<8x4096xi32, #tpu.memory_space<vmem>>, vector<1x4096xi32>
    tpu.vector_store %arg4[%swap3A_214, %swap3A_215], %select_n3A_213 {strides = array<i32>} : memref<8x4096xi32, #tpu.memory_space<vmem>>, vector<1x4096xi32>,
    %gt3A_217 = arith.constant 0 : i32
    %gt3A_218 = vector.broadcast %gt3A_217 : i32 to vector<1x4096xi32>
    %gt3A_219 = arith.cmpi sgt, %concatenate3A_148, %gt3A_218 : vector<1x4096xi32>
    %and3A_220 = arith.andi %lt3A_151, %gt3A_219 : vector<1x4096xi1>
    %gt3A_221 = arith.constant 0 : i32
    %gt3A_222 = vector.broadcast %gt3A_221 : i32 to vector<1x4096xi32>
    %gt3A_223 = arith.cmpi sgt, %convert_element_type3A_125, %gt3A_222 : vector<1x4096xi32>
    %and3A_224 = arith.andi %and3A_220, %gt3A_223 : vector<1x4096xi1>
    %not3A_225 = arith.constant dense<true> : vector<1x4096xi1>
    %not3A_226 = arith.xori %and3A_224, %not3A_225 : vector<1x4096xi1>
    %jit3A_227 = arith.constant 4096 : i32
    %jit3A_228 = arith.constant 0 : i32
    %broadcast_in_dim3A_229 = vector.broadcast %jit3A_227 : i32 to vector<1x4096xi32>
    %broadcast_in_dim3A_230 = vector.broadcast %jit3A_228 : i32 to vector<1x4096xi32>
    %select_n3A_231 = arith.select %not3A_226, %broadcast_in_dim3A_229, %broadcast_in_dim3A_230 : vector<1x4096xi1>, vector<1x4096xi32>
    %swap3A_232 = arith.constant 7 : index
    %swap3A_233 = arith.constant 0 : index
    %swap3A_234 = vector.load %arg4[%swap3A_232, %swap3A_233] : memref<8x4096xi32, #tpu.memory_space<vmem>>, vector<1x4096xi32>
    tpu.vector_store %arg4[%swap3A_232, %swap3A_233], %select_n3A_231 {strides = array<i32>} : memref<8x4096xi32, #tpu.memory_space<vmem>>, vector<1x4096xi32>,
    %neg3A = arith.constant 0.000000e+00 : f32
    %neg3A_235 = vector.broadcast %neg3A : f32 to vector<1x4096xf32>
    %neg3A_236 = arith.subf %neg3A_235, %slice3A_5 : vector<1x4096xf32>
    %exp3A = math.exp %neg3A_236 : vector<1x4096xf32>
    %add3A = arith.constant 1.000000e+00 : f32
    %add3A_237 = vector.broadcast %add3A : f32 to vector<1x4096xf32>
    %add3A_238 = arith.addf %add3A_237, %exp3A : vector<1x4096xf32>
    %div3A = arith.constant 1.000000e+00 : f32
    %div3A_239 = vector.broadcast %div3A : f32 to vector<1x4096xf32>
    %div3A_240 = arith.divf %div3A_239, %add3A_238 : vector<1x4096xf32>
    %swap3A_241 = arith.constant 0 : index
    %swap3A_242 = arith.constant 0 : index
    %swap3A_243 = vector.load %arg2[%swap3A_241, %swap3A_242] : memref<6x4096xf32, #tpu.memory_space<vmem>>, vector<1x4096xf32>
    tpu.vector_store %arg2[%swap3A_241, %swap3A_242], %div3A_240 {strides = array<i32>} : memref<6x4096xf32, #tpu.memory_space<vmem>>, vector<1x4096xf32>,
    %add3A_244 = arith.constant 1.000000e-07 : f32
    %add3A_245 = vector.broadcast %add3A_244 : f32 to vector<1x4096xf32>
    %add3A_246 = arith.addf %div3A_240, %add3A_245 : vector<1x4096xf32>
    %log3A = math.log %add3A_246 : vector<1x4096xf32>
    %swap3A_247 = arith.constant 1 : index
    %swap3A_248 = arith.constant 0 : index
    %swap3A_249 = vector.load %arg2[%swap3A_247, %swap3A_248] : memref<6x4096xf32, #tpu.memory_space<vmem>>, vector<1x4096xf32>
    tpu.vector_store %arg2[%swap3A_247, %swap3A_248], %log3A {strides = array<i32>} : memref<6x4096xf32, #tpu.memory_space<vmem>>, vector<1x4096xf32>,
    %sub3A = arith.constant 1.000000e+00 : f32
    %sub3A_250 = vector.broadcast %sub3A : f32 to vector<1x4096xf32>
    %sub3A_251 = arith.subf %sub3A_250, %div3A_240 : vector<1x4096xf32>
    %add3A_252 = arith.constant 1.000000e-07 : f32
    %add3A_253 = vector.broadcast %add3A_252 : f32 to vector<1x4096xf32>
    %add3A_254 = arith.addf %sub3A_251, %add3A_253 : vector<1x4096xf32>
    %log3A_255 = math.log %add3A_254 : vector<1x4096xf32>
    %swap3A_256 = arith.constant 2 : index
    %swap3A_257 = arith.constant 0 : index
    %swap3A_258 = vector.load %arg2[%swap3A_256, %swap3A_257] : memref<6x4096xf32, #tpu.memory_space<vmem>>, vector<1x4096xf32>
    tpu.vector_store %arg2[%swap3A_256, %swap3A_257], %log3A_255 {strides = array<i32>} : memref<6x4096xf32, #tpu.memory_space<vmem>>, vector<1x4096xf32>,
    %neg3A_259 = arith.constant 0.000000e+00 : f32
    %neg3A_260 = vector.broadcast %neg3A_259 : f32 to vector<1x4096xf32>
    %neg3A_261 = arith.subf %neg3A_260, %slice3A_6 : vector<1x4096xf32>
    %exp3A_262 = math.exp %neg3A_261 : vector<1x4096xf32>
    %add3A_263 = arith.constant 1.000000e+00 : f32
    %add3A_264 = vector.broadcast %add3A_263 : f32 to vector<1x4096xf32>
    %add3A_265 = arith.addf %add3A_264, %exp3A_262 : vector<1x4096xf32>
    %div3A_266 = arith.constant 1.000000e+00 : f32
    %div3A_267 = vector.broadcast %div3A_266 : f32 to vector<1x4096xf32>
    %div3A_268 = arith.divf %div3A_267, %add3A_265 : vector<1x4096xf32>
    %swap3A_269 = arith.constant 3 : index
    %swap3A_270 = arith.constant 0 : index
    %swap3A_271 = vector.load %arg2[%swap3A_269, %swap3A_270] : memref<6x4096xf32, #tpu.memory_space<vmem>>, vector<1x4096xf32>
    tpu.vector_store %arg2[%swap3A_269, %swap3A_270], %div3A_268 {strides = array<i32>} : memref<6x4096xf32, #tpu.memory_space<vmem>>, vector<1x4096xf32>,
    %add3A_272 = arith.constant 1.000000e-07 : f32
    %add3A_273 = vector.broadcast %add3A_272 : f32 to vector<1x4096xf32>
    %add3A_274 = arith.addf %div3A_268, %add3A_273 : vector<1x4096xf32>
    %log3A_275 = math.log %add3A_274 : vector<1x4096xf32>
    %swap3A_276 = arith.constant 4 : index
    %swap3A_277 = arith.constant 0 : index
    %swap3A_278 = vector.load %arg2[%swap3A_276, %swap3A_277] : memref<6x4096xf32, #tpu.memory_space<vmem>>, vector<1x4096xf32>
    tpu.vector_store %arg2[%swap3A_276, %swap3A_277], %log3A_275 {strides = array<i32>} : memref<6x4096xf32, #tpu.memory_space<vmem>>, vector<1x4096xf32>,
    %sub3A_279 = arith.constant 1.000000e+00 : f32
    %sub3A_280 = vector.broadcast %sub3A_279 : f32 to vector<1x4096xf32>
    %sub3A_281 = arith.subf %sub3A_280, %div3A_268 : vector<1x4096xf32>
    %add3A_282 = arith.constant 1.000000e-07 : f32
    %add3A_283 = vector.broadcast %add3A_282 : f32 to vector<1x4096xf32>
    %add3A_284 = arith.addf %sub3A_281, %add3A_283 : vector<1x4096xf32>
    %log3A_285 = math.log %add3A_284 : vector<1x4096xf32>
    %swap3A_286 = arith.constant 5 : index
    %swap3A_287 = arith.constant 0 : index
    %swap3A_288 = vector.load %arg2[%swap3A_286, %swap3A_287] : memref<6x4096xf32, #tpu.memory_space<vmem>>, vector<1x4096xf32>
    tpu.vector_store %arg2[%swap3A_286, %swap3A_287], %log3A_285 {strides = array<i32>} : memref<6x4096xf32, #tpu.memory_space<vmem>>, vector<1x4096xf32>,
    %gt3A_289 = arith.constant 0 : i32
    %gt3A_290 = vector.broadcast %gt3A_289 : i32 to vector<1x4096xi32>
    %gt3A_291 = arith.cmpi sgt, %select_n3A_13, %gt3A_290 : vector<1x4096xi32>
    %jit3A_292 = arith.constant 0.000000e+00 : f32
    %broadcast_in_dim3A_293 = vector.broadcast %jit3A_292 : f32 to vector<1x4096xf32>
    %select_n3A_294 = arith.select %gt3A_291, %slice3A_5, %broadcast_in_dim3A_293 : vector<1x4096xi1>, vector<1x4096xf32>
    %neg3A_295 = arith.constant 0.000000e+00 : f32
    %neg3A_296 = vector.broadcast %neg3A_295 : f32 to vector<1x4096xf32>
    %neg3A_297 = arith.subf %neg3A_296, %select_n3A_294 : vector<1x4096xf32>
    %exp3A_298 = math.exp %neg3A_297 : vector<1x4096xf32>
    %add3A_299 = arith.constant 1.000000e+00 : f32
    %add3A_300 = vector.broadcast %add3A_299 : f32 to vector<1x4096xf32>
    %add3A_301 = arith.addf %add3A_300, %exp3A_298 : vector<1x4096xf32>
    %div3A_302 = arith.constant 1.000000e+00 : f32
    %div3A_303 = vector.broadcast %div3A_302 : f32 to vector<1x4096xf32>
    %div3A_304 = arith.divf %div3A_303, %add3A_301 : vector<1x4096xf32>
    %gt3A_305 = arith.constant 0 : i32
    %gt3A_306 = vector.broadcast %gt3A_305 : i32 to vector<1x4096xi32>
    %gt3A_307 = arith.cmpi sgt, %get3A_4, %gt3A_306 : vector<1x4096xi32>
    %convert_element_type3A_308 = arith.extui %gt3A_307 : vector<1x4096xi1> to vector<1x4096xi32>
    %convert_element_type3A_309 = arith.sitofp %convert_element_type3A_308 : vector<1x4096xi32> to vector<1x4096xf32>
    %add3A_310 = arith.constant 1.000000e-07 : f32
    %add3A_311 = vector.broadcast %add3A_310 : f32 to vector<1x4096xf32>
    %add3A_312 = arith.addf %div3A_304, %add3A_311 : vector<1x4096xf32>
    %log3A_313 = math.log %add3A_312 : vector<1x4096xf32>
    %mul3A = arith.mulf %convert_element_type3A_309, %log3A_313 : vector<1x4096xf32>
    %sub3A_314 = arith.constant 1.000000e+00 : f32
    %sub3A_315 = vector.broadcast %sub3A_314 : f32 to vector<1x4096xf32>
    %sub3A_316 = arith.subf %sub3A_315, %convert_element_type3A_309 : vector<1x4096xf32>
    %sub3A_317 = arith.constant 1.000000e+00 : f32
    %sub3A_318 = vector.broadcast %sub3A_317 : f32 to vector<1x4096xf32>
    %sub3A_319 = arith.subf %sub3A_318, %div3A_304 : vector<1x4096xf32>
    %add3A_320 = arith.constant 1.000000e-07 : f32
    %add3A_321 = vector.broadcast %add3A_320 : f32 to vector<1x4096xf32>
    %add3A_322 = arith.addf %sub3A_319, %add3A_321 : vector<1x4096xf32>
    %log3A_323 = math.log %add3A_322 : vector<1x4096xf32>
    %mul3A_324 = arith.mulf %sub3A_316, %log3A_323 : vector<1x4096xf32>
    %add3A_325 = arith.addf %mul3A, %mul3A_324 : vector<1x4096xf32>
    %reduce_sum3A = vector.shape_cast %add3A_325 : vector<1x4096xf32> to vector<1x1x4096xf32>
    %reduce_sum3A_326 = arith.constant dense<0.000000e+00> : vector<1xf32>
    %reduce_sum3A_327 = vector.multi_reduction <add>, %reduce_sum3A, %reduce_sum3A_326 [1, 2] : vector<1x1x4096xf32> to vector<1xf32>
    %reduce_sum3A_328 = vector.shape_cast %reduce_sum3A_327 : vector<1xf32> to vector<1x1x1xf32>
    %reduce_sum3A_329 = vector.extract %reduce_sum3A_328[0, 0, 0] : f32 from vector<1x1x1xf32>
    %neg3A_330 = arith.constant 0.000000e+00 : f32
    %neg3A_331 = arith.subf %neg3A_330, %reduce_sum3A_329 : f32
    %div3A_332 = arith.constant 4.096000e+03 : f32
    %div3A_333 = arith.divf %neg3A_331, %div3A_332 : f32
    %mul3A_334 = arith.mulf %div3A_304, %convert_element_type3A_309 : vector<1x4096xf32>
    %reduce_sum3A_335 = vector.shape_cast %mul3A_334 : vector<1x4096xf32> to vector<1x1x4096xf32>
    %reduce_sum3A_336 = arith.constant dense<0.000000e+00> : vector<1xf32>
    %reduce_sum3A_337 = vector.multi_reduction <add>, %reduce_sum3A_335, %reduce_sum3A_336 [1, 2] : vector<1x1x4096xf32> to vector<1xf32>
    %reduce_sum3A_338 = vector.shape_cast %reduce_sum3A_337 : vector<1xf32> to vector<1x1x1xf32>
    %reduce_sum3A_339 = vector.extract %reduce_sum3A_338[0, 0, 0] : f32 from vector<1x1x1xf32>
    %mul3A_340 = arith.constant 2.000000e+00 : f32
    %mul3A_341 = arith.mulf %mul3A_340, %reduce_sum3A_339 : f32
    %add3A_342 = arith.constant 1.000000e+00 : f32
    %add3A_343 = arith.addf %mul3A_341, %add3A_342 : f32
    %reduce_sum3A_344 = vector.shape_cast %div3A_304 : vector<1x4096xf32> to vector<1x1x4096xf32>
    %reduce_sum3A_345 = arith.constant dense<0.000000e+00> : vector<1xf32>
    %reduce_sum3A_346 = vector.multi_reduction <add>, %reduce_sum3A_344, %reduce_sum3A_345 [1, 2] : vector<1x1x4096xf32> to vector<1xf32>
    %reduce_sum3A_347 = vector.shape_cast %reduce_sum3A_346 : vector<1xf32> to vector<1x1x1xf32>
    %reduce_sum3A_348 = vector.extract %reduce_sum3A_347[0, 0, 0] : f32 from vector<1x1x1xf32>
    %reduce_sum3A_349 = vector.shape_cast %convert_element_type3A_309 : vector<1x4096xf32> to vector<1x1x4096xf32>
    %reduce_sum3A_350 = arith.constant dense<0.000000e+00> : vector<1xf32>
    %reduce_sum3A_351 = vector.multi_reduction <add>, %reduce_sum3A_349, %reduce_sum3A_350 [1, 2] : vector<1x1x4096xf32> to vector<1xf32>
    %reduce_sum3A_352 = vector.shape_cast %reduce_sum3A_351 : vector<1xf32> to vector<1x1x1xf32>
    %reduce_sum3A_353 = vector.extract %reduce_sum3A_352[0, 0, 0] : f32 from vector<1x1x1xf32>
    %add3A_354 = arith.addf %reduce_sum3A_348, %reduce_sum3A_353 : f32
    %add3A_355 = arith.constant 1.000000e+00 : f32
    %add3A_356 = arith.addf %add3A_354, %add3A_355 : f32
    %div3A_357 = arith.divf %add3A_343, %add3A_356 : f32
    %sub3A_358 = arith.constant 1.000000e+00 : f32
    %sub3A_359 = arith.subf %sub3A_358, %div3A_357 : f32
    %add3A_360 = arith.addf %div3A_333, %sub3A_359 : f32
    %eq3A_361 = arith.constant 0 : i32
    %eq3A_362 = vector.broadcast %eq3A_361 : i32 to vector<1x4096xi32>
    %eq3A_363 = arith.cmpi eq, %get3A_4, %eq3A_362 : vector<1x4096xi32>
    %convert_element_type3A_364 = arith.extui %eq3A_363 : vector<1x4096xi1> to vector<1x4096xi32>
    %convert_element_type3A_365 = arith.sitofp %convert_element_type3A_364 : vector<1x4096xi32> to vector<1x4096xf32>
    %reduce_sum3A_366 = vector.shape_cast %convert_element_type3A_365 : vector<1x4096xf32> to vector<1x1x4096xf32>
    %reduce_sum3A_367 = arith.constant dense<0.000000e+00> : vector<1xf32>
    %reduce_sum3A_368 = vector.multi_reduction <add>, %reduce_sum3A_366, %reduce_sum3A_367 [1, 2] : vector<1x1x4096xf32> to vector<1xf32>
    %reduce_sum3A_369 = vector.shape_cast %reduce_sum3A_368 : vector<1xf32> to vector<1x1x1xf32>
    %reduce_sum3A_370 = vector.extract %reduce_sum3A_369[0, 0, 0] : f32 from vector<1x1x1xf32>
    %eq3A_371 = arith.constant 1 : i32
    %eq3A_372 = vector.broadcast %eq3A_371 : i32 to vector<1x4096xi32>
    %eq3A_373 = arith.cmpi eq, %get3A_4, %eq3A_372 : vector<1x4096xi32>
    %convert_element_type3A_374 = arith.extui %eq3A_373 : vector<1x4096xi1> to vector<1x4096xi32>
    %convert_element_type3A_375 = arith.sitofp %convert_element_type3A_374 : vector<1x4096xi32> to vector<1x4096xf32>
    %reduce_sum3A_376 = vector.shape_cast %convert_element_type3A_375 : vector<1x4096xf32> to vector<1x1x4096xf32>
    %reduce_sum3A_377 = arith.constant dense<0.000000e+00> : vector<1xf32>
    %reduce_sum3A_378 = vector.multi_reduction <add>, %reduce_sum3A_376, %reduce_sum3A_377 [1, 2] : vector<1x1x4096xf32> to vector<1xf32>
    %reduce_sum3A_379 = vector.shape_cast %reduce_sum3A_378 : vector<1xf32> to vector<1x1x1xf32>
    %reduce_sum3A_380 = vector.extract %reduce_sum3A_379[0, 0, 0] : f32 from vector<1x1x1xf32>
    %eq3A_381 = arith.constant 2 : i32
    %eq3A_382 = vector.broadcast %eq3A_381 : i32 to vector<1x4096xi32>
    %eq3A_383 = arith.cmpi eq, %get3A_4, %eq3A_382 : vector<1x4096xi32>
    %convert_element_type3A_384 = arith.extui %eq3A_383 : vector<1x4096xi1> to vector<1x4096xi32>
    %convert_element_type3A_385 = arith.sitofp %convert_element_type3A_384 : vector<1x4096xi32> to vector<1x4096xf32>
    %reduce_sum3A_386 = vector.shape_cast %convert_element_type3A_385 : vector<1x4096xf32> to vector<1x1x4096xf32>
    %reduce_sum3A_387 = arith.constant dense<0.000000e+00> : vector<1xf32>
    %reduce_sum3A_388 = vector.multi_reduction <add>, %reduce_sum3A_386, %reduce_sum3A_387 [1, 2] : vector<1x1x4096xf32> to vector<1xf32>
    %reduce_sum3A_389 = vector.shape_cast %reduce_sum3A_388 : vector<1xf32> to vector<1x1x1xf32>
    %reduce_sum3A_390 = vector.extract %reduce_sum3A_389[0, 0, 0] : f32 from vector<1x1x1xf32>
    %eq3A_391 = arith.constant 1 : i32
    %eq3A_392 = vector.broadcast %eq3A_391 : i32 to vector<1x4096xi32>
    %eq3A_393 = arith.cmpi eq, %select_n3A_13, %eq3A_392 : vector<1x4096xi32>
    %convert_element_type3A_394 = arith.extui %eq3A_393 : vector<1x4096xi1> to vector<1x4096xi32>
    %convert_element_type3A_395 = arith.sitofp %convert_element_type3A_394 : vector<1x4096xi32> to vector<1x4096xf32>
    %reduce_sum3A_396 = vector.shape_cast %convert_element_type3A_395 : vector<1x4096xf32> to vector<1x1x4096xf32>
    %reduce_sum3A_397 = arith.constant dense<0.000000e+00> : vector<1xf32>
    %reduce_sum3A_398 = vector.multi_reduction <add>, %reduce_sum3A_396, %reduce_sum3A_397 [1, 2] : vector<1x1x4096xf32> to vector<1xf32>
    %reduce_sum3A_399 = vector.shape_cast %reduce_sum3A_398 : vector<1xf32> to vector<1x1x1xf32>
    %reduce_sum3A_400 = vector.extract %reduce_sum3A_399[0, 0, 0] : f32 from vector<1x1x1xf32>
    %eq3A_401 = arith.constant 2 : i32
    %eq3A_402 = vector.broadcast %eq3A_401 : i32 to vector<1x4096xi32>
    %eq3A_403 = arith.cmpi eq, %select_n3A_13, %eq3A_402 : vector<1x4096xi32>
    %convert_element_type3A_404 = arith.extui %eq3A_403 : vector<1x4096xi1> to vector<1x4096xi32>
    %convert_element_type3A_405 = arith.sitofp %convert_element_type3A_404 : vector<1x4096xi32> to vector<1x4096xf32>
    %reduce_sum3A_406 = vector.shape_cast %convert_element_type3A_405 : vector<1x4096xf32> to vector<1x1x4096xf32>
    %reduce_sum3A_407 = arith.constant dense<0.000000e+00> : vector<1xf32>
    %reduce_sum3A_408 = vector.multi_reduction <add>, %reduce_sum3A_406, %reduce_sum3A_407 [1, 2] : vector<1x1x4096xf32> to vector<1xf32>
    %reduce_sum3A_409 = vector.shape_cast %reduce_sum3A_408 : vector<1xf32> to vector<1x1x1xf32>
    %reduce_sum3A_410 = vector.extract %reduce_sum3A_409[0, 0, 0] : f32 from vector<1x1x1xf32>
    %iota3A_411 = tpu.iota {dimensions = array<i32: 1>} : vector<1x128xi32>
    %eq3A_412 = arith.constant 0 : i32
    %eq3A_413 = vector.broadcast %eq3A_412 : i32 to vector<1x128xi32>
    %eq3A_414 = arith.cmpi eq, %iota3A_411, %eq3A_413 : vector<1x128xi32>
    %jit3A_415 = arith.constant 0.000000e+00 : f32
    %broadcast_in_dim3A_416 = vector.broadcast %add3A_360 : f32 to vector<1x128xf32>
    %broadcast_in_dim3A_417 = vector.broadcast %jit3A_415 : f32 to vector<1x128xf32>
    %select_n3A_418 = arith.select %eq3A_414, %broadcast_in_dim3A_416, %broadcast_in_dim3A_417 : vector<1x128xi1>, vector<1x128xf32>
    %eq3A_419 = arith.constant 1 : i32
    %eq3A_420 = vector.broadcast %eq3A_419 : i32 to vector<1x128xi32>
    %eq3A_421 = arith.cmpi eq, %iota3A_411, %eq3A_420 : vector<1x128xi32>
    %jit3A_422 = arith.constant 0.000000e+00 : f32
    %broadcast_in_dim3A_423 = vector.broadcast %reduce_sum3A_370 : f32 to vector<1x128xf32>
    %broadcast_in_dim3A_424 = vector.broadcast %jit3A_422 : f32 to vector<1x128xf32>
    %select_n3A_425 = arith.select %eq3A_421, %broadcast_in_dim3A_423, %broadcast_in_dim3A_424 : vector<1x128xi1>, vector<1x128xf32>
    %add3A_426 = arith.addf %select_n3A_418, %select_n3A_425 : vector<1x128xf32>
    %eq3A_427 = arith.constant 2 : i32
    %eq3A_428 = vector.broadcast %eq3A_427 : i32 to vector<1x128xi32>
    %eq3A_429 = arith.cmpi eq, %iota3A_411, %eq3A_428 : vector<1x128xi32>
    %jit3A_430 = arith.constant 0.000000e+00 : f32
    %broadcast_in_dim3A_431 = vector.broadcast %reduce_sum3A_380 : f32 to vector<1x128xf32>
    %broadcast_in_dim3A_432 = vector.broadcast %jit3A_430 : f32 to vector<1x128xf32>
    %select_n3A_433 = arith.select %eq3A_429, %broadcast_in_dim3A_431, %broadcast_in_dim3A_432 : vector<1x128xi1>, vector<1x128xf32>
    %add3A_434 = arith.addf %add3A_426, %select_n3A_433 : vector<1x128xf32>
    %eq3A_435 = arith.constant 3 : i32
    %eq3A_436 = vector.broadcast %eq3A_435 : i32 to vector<1x128xi32>
    %eq3A_437 = arith.cmpi eq, %iota3A_411, %eq3A_436 : vector<1x128xi32>
    %jit3A_438 = arith.constant 0.000000e+00 : f32
    %broadcast_in_dim3A_439 = vector.broadcast %reduce_sum3A_390 : f32 to vector<1x128xf32>
    %broadcast_in_dim3A_440 = vector.broadcast %jit3A_438 : f32 to vector<1x128xf32>
    %select_n3A_441 = arith.select %eq3A_437, %broadcast_in_dim3A_439, %broadcast_in_dim3A_440 : vector<1x128xi1>, vector<1x128xf32>
    %add3A_442 = arith.addf %add3A_434, %select_n3A_441 : vector<1x128xf32>
    %eq3A_443 = arith.constant 4 : i32
    %eq3A_444 = vector.broadcast %eq3A_443 : i32 to vector<1x128xi32>
    %eq3A_445 = arith.cmpi eq, %iota3A_411, %eq3A_444 : vector<1x128xi32>
    %jit3A_446 = arith.constant 0.000000e+00 : f32
    %broadcast_in_dim3A_447 = vector.broadcast %reduce_sum3A_400 : f32 to vector<1x128xf32>
    %broadcast_in_dim3A_448 = vector.broadcast %jit3A_446 : f32 to vector<1x128xf32>
    %select_n3A_449 = arith.select %eq3A_445, %broadcast_in_dim3A_447, %broadcast_in_dim3A_448 : vector<1x128xi1>, vector<1x128xf32>
    %add3A_450 = arith.addf %add3A_442, %select_n3A_449 : vector<1x128xf32>
    %eq3A_451 = arith.constant 5 : i32
    %eq3A_452 = vector.broadcast %eq3A_451 : i32 to vector<1x128xi32>
    %eq3A_453 = arith.cmpi eq, %iota3A_411, %eq3A_452 : vector<1x128xi32>
    %jit3A_454 = arith.constant 0.000000e+00 : f32
    %broadcast_in_dim3A_455 = vector.broadcast %reduce_sum3A_410 : f32 to vector<1x128xf32>
    %broadcast_in_dim3A_456 = vector.broadcast %jit3A_454 : f32 to vector<1x128xf32>
    %select_n3A_457 = arith.select %eq3A_453, %broadcast_in_dim3A_455, %broadcast_in_dim3A_456 : vector<1x128xi1>, vector<1x128xf32>
    %add3A_458 = arith.addf %add3A_450, %select_n3A_457 : vector<1x128xf32>
    %swap3A_459 = arith.constant 0 : index
    %swap3A_460 = arith.constant 0 : index
    %swap3A_461 = vector.load %arg5[%swap3A_459, %swap3A_460] : memref<1x128xf32, #tpu.memory_space<vmem>>, vector<1x128xf32>
    tpu.vector_store %arg5[%swap3A_459, %swap3A_460], %add3A_458 {strides = array<i32>} : memref<1x128xf32, #tpu.memory_space<vmem>>, vector<1x128xf32>,
    return
  }
}

module attributes {stable_mosaic.version = 14 : i64} {
  func.func @_tc2_body(%arg0: memref<2x50688xf32, #tpu.memory_space<vmem>>, %arg1: memref<1x128xf32, #tpu.memory_space<vmem>>, %arg2: memref<1x1xf32, #tpu.memory_space<vmem>>) attributes {dimension_semantics = [], scalar_prefetch = 0 : i64, scratch_operands = 0 : i64, tpu.core_type = #tpu.core_type<tc>} {
    %get3A = arith.constant 0 : index
    %get3A_0 = arith.constant 0 : index
    %get3A_1 = vector.load %arg1[%get3A, %get3A_0] : memref<1x128xf32, #tpu.memory_space<vmem>>, vector<1x1xf32>
    %get3A_2 = vector.extract %get3A_1[0, 0] : f32 from vector<1x1xf32>
    %get3A_3 = arith.constant 0 : index
    %get3A_4 = arith.constant 1 : index
    %get3A_5 = vector.load %arg1[%get3A_3, %get3A_4] : memref<1x128xf32, #tpu.memory_space<vmem>>, vector<1x1xf32>
    %get3A_6 = vector.extract %get3A_5[0, 0] : f32 from vector<1x1xf32>
    %get3A_7 = arith.constant 0 : index
    %get3A_8 = arith.constant 2 : index
    %get3A_9 = vector.load %arg1[%get3A_7, %get3A_8] : memref<1x128xf32, #tpu.memory_space<vmem>>, vector<1x1xf32>
    %get3A_10 = vector.extract %get3A_9[0, 0] : f32 from vector<1x1xf32>
    %get3A_11 = arith.constant 0 : index
    %get3A_12 = arith.constant 3 : index
    %get3A_13 = vector.load %arg1[%get3A_11, %get3A_12] : memref<1x128xf32, #tpu.memory_space<vmem>>, vector<1x1xf32>
    %get3A_14 = vector.extract %get3A_13[0, 0] : f32 from vector<1x1xf32>
    %get3A_15 = arith.constant 0 : index
    %get3A_16 = arith.constant 4 : index
    %get3A_17 = vector.load %arg1[%get3A_15, %get3A_16] : memref<1x128xf32, #tpu.memory_space<vmem>>, vector<1x1xf32>
    %get3A_18 = vector.extract %get3A_17[0, 0] : f32 from vector<1x1xf32>
    %gt3A = arith.constant 0.000000e+00 : f32
    %gt3A_19 = arith.cmpf ogt, %get3A_18, %gt3A : f32
    %get3A_20 = arith.constant 0 : index
    %get3A_21 = arith.constant 5 : index
    %get3A_22 = vector.load %arg1[%get3A_20, %get3A_21] : memref<1x128xf32, #tpu.memory_space<vmem>>, vector<1x1xf32>
    %get3A_23 = vector.extract %get3A_22[0, 0] : f32 from vector<1x1xf32>
    %gt3A_24 = arith.constant 0.000000e+00 : f32
    %gt3A_25 = arith.cmpf ogt, %get3A_23, %gt3A_24 : f32
    %gt3A_26 = arith.constant 0.000000e+00 : f32
    %gt3A_27 = arith.cmpf ogt, %get3A_6, %gt3A_26 : f32
    %gt3A_28 = arith.constant 0.000000e+00 : f32
    %gt3A_29 = arith.cmpf ogt, %get3A_10, %gt3A_28 : f32
    %gt3A_30 = arith.constant 0.000000e+00 : f32
    %gt3A_31 = arith.cmpf ogt, %get3A_14, %gt3A_30 : f32
    %iota3A = tpu.iota {dimensions = array<i32: 1>} : vector<1x4224xi32>
    %get3A_32 = arith.constant 0 : index
    %get3A_33 = arith.constant 0 : index
    %get3A_34 = vector.load %arg0[%get3A_32, %get3A_33] : memref<2x50688xf32, #tpu.memory_space<vmem>>, vector<1x4224xf32>
    %get3A_35 = arith.constant 0 : index
    %get3A_36 = arith.constant 4224 : index
    %get3A_37 = vector.load %arg0[%get3A_35, %get3A_36] : memref<2x50688xf32, #tpu.memory_space<vmem>>, vector<1x4224xf32>
    %get3A_38 = arith.constant 0 : index
    %get3A_39 = arith.constant 8448 : index
    %get3A_40 = vector.load %arg0[%get3A_38, %get3A_39] : memref<2x50688xf32, #tpu.memory_space<vmem>>, vector<1x4224xf32>
    %get3A_41 = arith.constant 0 : index
    %get3A_42 = arith.constant 12672 : index
    %get3A_43 = vector.load %arg0[%get3A_41, %get3A_42] : memref<2x50688xf32, #tpu.memory_space<vmem>>, vector<1x4224xf32>
    %get3A_44 = arith.constant 0 : index
    %get3A_45 = arith.constant 16896 : index
    %get3A_46 = vector.load %arg0[%get3A_44, %get3A_45] : memref<2x50688xf32, #tpu.memory_space<vmem>>, vector<1x4224xf32>
    %get3A_47 = arith.constant 0 : index
    %get3A_48 = arith.constant 21120 : index
    %get3A_49 = vector.load %arg0[%get3A_47, %get3A_48] : memref<2x50688xf32, #tpu.memory_space<vmem>>, vector<1x4224xf32>
    %get3A_50 = arith.constant 0 : index
    %get3A_51 = arith.constant 25344 : index
    %get3A_52 = vector.load %arg0[%get3A_50, %get3A_51] : memref<2x50688xf32, #tpu.memory_space<vmem>>, vector<1x4224xf32>
    %get3A_53 = arith.constant 0 : index
    %get3A_54 = arith.constant 29568 : index
    %get3A_55 = vector.load %arg0[%get3A_53, %get3A_54] : memref<2x50688xf32, #tpu.memory_space<vmem>>, vector<1x4224xf32>
    %get3A_56 = arith.constant 0 : index
    %get3A_57 = arith.constant 33792 : index
    %get3A_58 = vector.load %arg0[%get3A_56, %get3A_57] : memref<2x50688xf32, #tpu.memory_space<vmem>>, vector<1x4224xf32>
    %get3A_59 = arith.constant 0 : index
    %get3A_60 = arith.constant 38016 : index
    %get3A_61 = vector.load %arg0[%get3A_59, %get3A_60] : memref<2x50688xf32, #tpu.memory_space<vmem>>, vector<1x4224xf32>
    %get3A_62 = arith.constant 0 : index
    %get3A_63 = arith.constant 42240 : index
    %get3A_64 = vector.load %arg0[%get3A_62, %get3A_63] : memref<2x50688xf32, #tpu.memory_space<vmem>>, vector<1x4224xf32>
    %get3A_65 = arith.constant 0 : index
    %get3A_66 = arith.constant 46464 : index
    %get3A_67 = vector.load %arg0[%get3A_65, %get3A_66] : memref<2x50688xf32, #tpu.memory_space<vmem>>, vector<1x4224xf32>
    %add3A = arith.addf %get3A_34, %get3A_37 : vector<1x4224xf32>
    %add3A_68 = arith.addf %add3A, %get3A_40 : vector<1x4224xf32>
    %add3A_69 = arith.addf %get3A_43, %get3A_46 : vector<1x4224xf32>
    %add3A_70 = arith.addf %add3A_69, %get3A_49 : vector<1x4224xf32>
    %add3A_71 = arith.addf %get3A_61, %get3A_64 : vector<1x4224xf32>
    %add3A_72 = arith.addf %add3A_71, %get3A_67 : vector<1x4224xf32>
    %gt3A_73 = arith.constant 0.000000e+00 : f32
    %gt3A_74 = vector.broadcast %gt3A_73 : f32 to vector<1x4224xf32>
    %gt3A_75 = arith.cmpf ogt, %add3A_68, %gt3A_74 : vector<1x4224xf32>
    %sub3A = arith.constant 4.096000e+03 : f32
    %sub3A_76 = vector.broadcast %sub3A : f32 to vector<1x4224xf32>
    %sub3A_77 = arith.subf %sub3A_76, %add3A_68 : vector<1x4224xf32>
    %mul3A = arith.constant 5.000000e-01 : f32
    %mul3A_78 = vector.broadcast %mul3A : f32 to vector<1x4224xf32>
    %mul3A_79 = arith.mulf %mul3A_78, %sub3A_77 : vector<1x4224xf32>
    %add3A_80 = arith.addf %add3A_70, %mul3A_79 : vector<1x4224xf32>
    %sub3A_81 = arith.subf %add3A_72, %get3A_61 : vector<1x4224xf32>
    %add3A_82 = arith.addf %get3A_52, %sub3A_81 : vector<1x4224xf32>
    %sub3A_83 = arith.constant 4.096000e+03 : f32
    %sub3A_84 = vector.broadcast %sub3A_83 : f32 to vector<1x4224xf32>
    %sub3A_85 = arith.subf %sub3A_84, %add3A_68 : vector<1x4224xf32>
    %mul3A_86 = arith.constant -6.931470e-01 : f32
    %mul3A_87 = vector.broadcast %mul3A_86 : f32 to vector<1x4224xf32>
    %mul3A_88 = arith.mulf %sub3A_85, %mul3A_87 : vector<1x4224xf32>
    %add3A_89 = arith.addf %add3A_82, %mul3A_88 : vector<1x4224xf32>
    %sub3A_90 = vector.broadcast %get3A_6 : f32 to vector<1x4224xf32>
    %sub3A_91 = arith.subf %sub3A_90, %get3A_34 : vector<1x4224xf32>
    %mul3A_92 = arith.constant 5.000000e-01 : f32
    %mul3A_93 = vector.broadcast %mul3A_92 : f32 to vector<1x4224xf32>
    %mul3A_94 = arith.mulf %mul3A_93, %sub3A_91 : vector<1x4224xf32>
    %add3A_95 = arith.addf %get3A_43, %mul3A_94 : vector<1x4224xf32>
    %neg3A = arith.constant 0.000000e+00 : f32
    %neg3A_96 = vector.broadcast %neg3A : f32 to vector<1x4224xf32>
    %neg3A_97 = arith.subf %neg3A_96, %add3A_89 : vector<1x4224xf32>
    %div3A = arith.constant 4.096000e+03 : f32
    %div3A_98 = vector.broadcast %div3A : f32 to vector<1x4224xf32>
    %div3A_99 = arith.divf %neg3A_97, %div3A_98 : vector<1x4224xf32>
    %add3A_100 = arith.constant 1.000000e+00 : f32
    %add3A_101 = vector.broadcast %add3A_100 : f32 to vector<1x4224xf32>
    %add3A_102 = arith.addf %div3A_99, %add3A_101 : vector<1x4224xf32>
    %mul3A_103 = arith.constant 2.000000e+00 : f32
    %mul3A_104 = vector.broadcast %mul3A_103 : f32 to vector<1x4224xf32>
    %mul3A_105 = arith.mulf %mul3A_104, %add3A_95 : vector<1x4224xf32>
    %add3A_106 = arith.constant 1.000000e+00 : f32
    %add3A_107 = vector.broadcast %add3A_106 : f32 to vector<1x4224xf32>
    %add3A_108 = arith.addf %mul3A_105, %add3A_107 : vector<1x4224xf32>
    %add3A_109 = vector.broadcast %get3A_6 : f32 to vector<1x4224xf32>
    %add3A_110 = arith.addf %add3A_80, %add3A_109 : vector<1x4224xf32>
    %add3A_111 = arith.constant 1.000000e+00 : f32
    %add3A_112 = vector.broadcast %add3A_111 : f32 to vector<1x4224xf32>
    %add3A_113 = arith.addf %add3A_110, %add3A_112 : vector<1x4224xf32>
    %div3A_114 = arith.divf %add3A_108, %add3A_113 : vector<1x4224xf32>
    %sub3A_115 = arith.subf %add3A_102, %div3A_114 : vector<1x4224xf32>
    %sub3A_116 = arith.subf %add3A_72, %get3A_64 : vector<1x4224xf32>
    %add3A_117 = arith.addf %get3A_55, %sub3A_116 : vector<1x4224xf32>
    %sub3A_118 = arith.constant 4.096000e+03 : f32
    %sub3A_119 = vector.broadcast %sub3A_118 : f32 to vector<1x4224xf32>
    %sub3A_120 = arith.subf %sub3A_119, %add3A_68 : vector<1x4224xf32>
    %mul3A_121 = arith.constant -6.931470e-01 : f32
    %mul3A_122 = vector.broadcast %mul3A_121 : f32 to vector<1x4224xf32>
    %mul3A_123 = arith.mulf %sub3A_120, %mul3A_122 : vector<1x4224xf32>
    %add3A_124 = arith.addf %add3A_117, %mul3A_123 : vector<1x4224xf32>
    %sub3A_125 = vector.broadcast %get3A_10 : f32 to vector<1x4224xf32>
    %sub3A_126 = arith.subf %sub3A_125, %get3A_37 : vector<1x4224xf32>
    %mul3A_127 = arith.constant 5.000000e-01 : f32
    %mul3A_128 = vector.broadcast %mul3A_127 : f32 to vector<1x4224xf32>
    %mul3A_129 = arith.mulf %mul3A_128, %sub3A_126 : vector<1x4224xf32>
    %add3A_130 = arith.addf %get3A_46, %mul3A_129 : vector<1x4224xf32>
    %neg3A_131 = arith.constant 0.000000e+00 : f32
    %neg3A_132 = vector.broadcast %neg3A_131 : f32 to vector<1x4224xf32>
    %neg3A_133 = arith.subf %neg3A_132, %add3A_124 : vector<1x4224xf32>
    %div3A_134 = arith.constant 4.096000e+03 : f32
    %div3A_135 = vector.broadcast %div3A_134 : f32 to vector<1x4224xf32>
    %div3A_136 = arith.divf %neg3A_133, %div3A_135 : vector<1x4224xf32>
    %add3A_137 = arith.constant 1.000000e+00 : f32
    %add3A_138 = vector.broadcast %add3A_137 : f32 to vector<1x4224xf32>
    %add3A_139 = arith.addf %div3A_136, %add3A_138 : vector<1x4224xf32>
    %mul3A_140 = arith.constant 2.000000e+00 : f32
    %mul3A_141 = vector.broadcast %mul3A_140 : f32 to vector<1x4224xf32>
    %mul3A_142 = arith.mulf %mul3A_141, %add3A_130 : vector<1x4224xf32>
    %add3A_143 = arith.constant 1.000000e+00 : f32
    %add3A_144 = vector.broadcast %add3A_143 : f32 to vector<1x4224xf32>
    %add3A_145 = arith.addf %mul3A_142, %add3A_144 : vector<1x4224xf32>
    %add3A_146 = vector.broadcast %get3A_10 : f32 to vector<1x4224xf32>
    %add3A_147 = arith.addf %add3A_80, %add3A_146 : vector<1x4224xf32>
    %add3A_148 = arith.constant 1.000000e+00 : f32
    %add3A_149 = vector.broadcast %add3A_148 : f32 to vector<1x4224xf32>
    %add3A_150 = arith.addf %add3A_147, %add3A_149 : vector<1x4224xf32>
    %div3A_151 = arith.divf %add3A_145, %add3A_150 : vector<1x4224xf32>
    %sub3A_152 = arith.subf %add3A_139, %div3A_151 : vector<1x4224xf32>
    %sub3A_153 = arith.subf %add3A_72, %get3A_67 : vector<1x4224xf32>
    %add3A_154 = arith.addf %get3A_58, %sub3A_153 : vector<1x4224xf32>
    %sub3A_155 = arith.constant 4.096000e+03 : f32
    %sub3A_156 = vector.broadcast %sub3A_155 : f32 to vector<1x4224xf32>
    %sub3A_157 = arith.subf %sub3A_156, %add3A_68 : vector<1x4224xf32>
    %mul3A_158 = arith.constant -6.931470e-01 : f32
    %mul3A_159 = vector.broadcast %mul3A_158 : f32 to vector<1x4224xf32>
    %mul3A_160 = arith.mulf %sub3A_157, %mul3A_159 : vector<1x4224xf32>
    %add3A_161 = arith.addf %add3A_154, %mul3A_160 : vector<1x4224xf32>
    %sub3A_162 = vector.broadcast %get3A_14 : f32 to vector<1x4224xf32>
    %sub3A_163 = arith.subf %sub3A_162, %get3A_40 : vector<1x4224xf32>
    %mul3A_164 = arith.constant 5.000000e-01 : f32
    %mul3A_165 = vector.broadcast %mul3A_164 : f32 to vector<1x4224xf32>
    %mul3A_166 = arith.mulf %mul3A_165, %sub3A_163 : vector<1x4224xf32>
    %add3A_167 = arith.addf %get3A_49, %mul3A_166 : vector<1x4224xf32>
    %neg3A_168 = arith.constant 0.000000e+00 : f32
    %neg3A_169 = vector.broadcast %neg3A_168 : f32 to vector<1x4224xf32>
    %neg3A_170 = arith.subf %neg3A_169, %add3A_161 : vector<1x4224xf32>
    %div3A_171 = arith.constant 4.096000e+03 : f32
    %div3A_172 = vector.broadcast %div3A_171 : f32 to vector<1x4224xf32>
    %div3A_173 = arith.divf %neg3A_170, %div3A_172 : vector<1x4224xf32>
    %add3A_174 = arith.constant 1.000000e+00 : f32
    %add3A_175 = vector.broadcast %add3A_174 : f32 to vector<1x4224xf32>
    %add3A_176 = arith.addf %div3A_173, %add3A_175 : vector<1x4224xf32>
    %mul3A_177 = arith.constant 2.000000e+00 : f32
    %mul3A_178 = vector.broadcast %mul3A_177 : f32 to vector<1x4224xf32>
    %mul3A_179 = arith.mulf %mul3A_178, %add3A_167 : vector<1x4224xf32>
    %add3A_180 = arith.constant 1.000000e+00 : f32
    %add3A_181 = vector.broadcast %add3A_180 : f32 to vector<1x4224xf32>
    %add3A_182 = arith.addf %mul3A_179, %add3A_181 : vector<1x4224xf32>
    %add3A_183 = vector.broadcast %get3A_14 : f32 to vector<1x4224xf32>
    %add3A_184 = arith.addf %add3A_80, %add3A_183 : vector<1x4224xf32>
    %add3A_185 = arith.constant 1.000000e+00 : f32
    %add3A_186 = vector.broadcast %add3A_185 : f32 to vector<1x4224xf32>
    %add3A_187 = arith.addf %add3A_184, %add3A_186 : vector<1x4224xf32>
    %div3A_188 = arith.divf %add3A_182, %add3A_187 : vector<1x4224xf32>
    %sub3A_189 = arith.subf %add3A_176, %div3A_188 : vector<1x4224xf32>
    %jit3A = arith.constant 1.000000e+00 : f32
    %jit3A_190 = arith.constant 0.000000e+00 : f32
    %select_n3A = arith.select %gt3A_27, %jit3A, %jit3A_190 : f32
    %jit3A_191 = arith.constant 1.000000e+00 : f32
    %jit3A_192 = arith.constant 0.000000e+00 : f32
    %select_n3A_193 = arith.select %gt3A_29, %jit3A_191, %jit3A_192 : f32
    %jit3A_194 = arith.constant 1.000000e+00 : f32
    %jit3A_195 = arith.constant 0.000000e+00 : f32
    %select_n3A_196 = arith.select %gt3A_31, %jit3A_194, %jit3A_195 : f32
    %add3A_197 = arith.addf %select_n3A, %select_n3A_193 : f32
    %add3A_198 = arith.addf %add3A_197, %select_n3A_196 : f32
    %lt3A = arith.constant 0.000000e+00 : f32
    %lt3A_199 = arith.cmpf olt, %lt3A, %add3A_198 : f32
    %add3A_200 = arith.addf %select_n3A, %select_n3A_193 : f32
    %add3A_201 = arith.addf %add3A_200, %select_n3A_196 : f32
    %sub3A_202 = arith.constant 1.000000e+00 : f32
    %sub3A_203 = arith.subf %select_n3A, %sub3A_202 : f32
    %eq3A = arith.constant 0.000000e+00 : f32
    %eq3A_204 = arith.cmpf oeq, %sub3A_203, %eq3A : f32
    %and3A = arith.andi %gt3A_27, %eq3A_204 : i1
    %sub3A_205 = arith.constant 1.000000e+00 : f32
    %sub3A_206 = arith.subf %add3A_200, %sub3A_205 : f32
    %eq3A_207 = arith.constant 0.000000e+00 : f32
    %eq3A_208 = arith.cmpf oeq, %sub3A_206, %eq3A_207 : f32
    %and3A_209 = arith.andi %gt3A_29, %eq3A_208 : i1
    %sub3A_210 = arith.constant 1.000000e+00 : f32
    %sub3A_211 = arith.subf %add3A_201, %sub3A_210 : f32
    %eq3A_212 = arith.constant 0.000000e+00 : f32
    %eq3A_213 = arith.cmpf oeq, %sub3A_211, %eq3A_212 : f32
    %and3A_214 = arith.andi %gt3A_31, %eq3A_213 : i1
    %select_n3A_215 = arith.select %and3A_214, %sub3A_189, %sub3A_115 : vector<1x4224xf32>
    %select_n3A_216 = arith.select %and3A_209, %sub3A_152, %select_n3A_215 : vector<1x4224xf32>
    %select_n3A_217 = arith.select %and3A, %sub3A_115, %select_n3A_216 : vector<1x4224xf32>
    %jit3A_218 = arith.constant 0x7F800000 : f32
    %broadcast_in_dim3A = vector.broadcast %jit3A_218 : f32 to vector<1x4224xf32>
    %select_n3A_219 = arith.select %gt3A_75, %select_n3A_217, %broadcast_in_dim3A : vector<1x4224xi1>, vector<1x4224xf32>
    %reduce_min3A = vector.shape_cast %select_n3A_219 : vector<1x4224xf32> to vector<1x1x4224xf32>
    %reduce_min3A_220 = arith.constant dense<0x7F800000> : vector<1xf32>
    %reduce_min3A_221 = vector.multi_reduction <minimumf>, %reduce_min3A, %reduce_min3A_220 [1, 2] : vector<1x1x4224xf32> to vector<1xf32>
    %reduce_min3A_222 = vector.shape_cast %reduce_min3A_221 : vector<1xf32> to vector<1x1x1xf32>
    %reduce_min3A_223 = vector.extract %reduce_min3A_222[0, 0, 0] : f32 from vector<1x1x1xf32>
    %eq3A_224 = vector.broadcast %reduce_min3A_223 : f32 to vector<1x4224xf32>
    %eq3A_225 = arith.cmpf oeq, %select_n3A_219, %eq3A_224 : vector<1x4224xf32>
    %jit3A_226 = arith.constant 1073741824 : i32
    %broadcast_in_dim3A_227 = vector.broadcast %jit3A_226 : i32 to vector<1x4224xi32>
    %select_n3A_228 = arith.select %eq3A_225, %iota3A, %broadcast_in_dim3A_227 : vector<1x4224xi1>, vector<1x4224xi32>
    %reduce_min3A_229 = vector.shape_cast %select_n3A_228 : vector<1x4224xi32> to vector<1x1x4224xi32>
    %reduce_min3A_230 = arith.constant dense<2147483647> : vector<1xi32>
    %reduce_min3A_231 = vector.multi_reduction <minsi>, %reduce_min3A_229, %reduce_min3A_230 [1, 2] : vector<1x1x4224xi32> to vector<1xi32>
    %reduce_min3A_232 = vector.shape_cast %reduce_min3A_231 : vector<1xi32> to vector<1x1x1xi32>
    %reduce_min3A_233 = vector.extract %reduce_min3A_232[0, 0, 0] : i32 from vector<1x1x1xi32>
    %lt3A_234 = arith.constant 9.99999993E+36 : f32
    %lt3A_235 = arith.cmpf olt, %reduce_min3A_223, %lt3A_234 : f32
    %and3A_236 = arith.andi %lt3A_199, %lt3A_235 : i1
    %jit3A_237 = arith.constant 0.000000e+00 : f32
    %select_n3A_238 = arith.select %and3A_236, %reduce_min3A_223, %jit3A_237 : f32
    %add3A_239 = arith.addf %get3A_2, %select_n3A_238 : f32
    %eq3A_240 = vector.broadcast %reduce_min3A_233 : i32 to vector<1x4224xi32>
    %eq3A_241 = arith.cmpi eq, %iota3A, %eq3A_240 : vector<1x4224xi32>
    %and3A_242 = vector.broadcast %and3A_236 : i1 to vector<1x4224xi1>
    %and3A_243 = arith.andi %and3A_242, %eq3A_241 : vector<1x4224xi1>
    %not3A = arith.constant dense<true> : vector<1x4224xi1>
    %not3A_244 = arith.xori %and3A_243, %not3A : vector<1x4224xi1>
    %and3A_245 = arith.andi %gt3A_75, %not3A_244 : vector<1x4224xi1>
    %and3A_246 = arith.andi %and3A_236, %and3A : i1
    %not3A_247 = arith.constant true
    %not3A_248 = arith.xori %and3A_246, %not3A_247 : i1
    %and3A_249 = arith.andi %gt3A_27, %not3A_248 : i1
    %and3A_250 = arith.andi %and3A_236, %and3A_209 : i1
    %not3A_251 = arith.constant true
    %not3A_252 = arith.xori %and3A_250, %not3A_251 : i1
    %and3A_253 = arith.andi %gt3A_29, %not3A_252 : i1
    %and3A_254 = arith.andi %and3A_236, %and3A_214 : i1
    %not3A_255 = arith.constant true
    %not3A_256 = arith.xori %and3A_254, %not3A_255 : i1
    %and3A_257 = arith.andi %gt3A_31, %not3A_256 : i1
    %jit3A_258 = arith.constant 1.000000e+00 : f32
    %jit3A_259 = arith.constant 0.000000e+00 : f32
    %select_n3A_260 = arith.select %and3A_249, %jit3A_258, %jit3A_259 : f32
    %jit3A_261 = arith.constant 1.000000e+00 : f32
    %jit3A_262 = arith.constant 0.000000e+00 : f32
    %select_n3A_263 = arith.select %and3A_253, %jit3A_261, %jit3A_262 : f32
    %jit3A_264 = arith.constant 1.000000e+00 : f32
    %jit3A_265 = arith.constant 0.000000e+00 : f32
    %select_n3A_266 = arith.select %and3A_257, %jit3A_264, %jit3A_265 : f32
    %add3A_267 = arith.addf %select_n3A_260, %select_n3A_263 : f32
    %add3A_268 = arith.addf %add3A_267, %select_n3A_266 : f32
    %lt3A_269 = arith.constant 1.000000e+00 : f32
    %lt3A_270 = arith.cmpf olt, %lt3A_269, %add3A_268 : f32
    %add3A_271 = arith.addf %select_n3A_260, %select_n3A_263 : f32
    %add3A_272 = arith.addf %add3A_271, %select_n3A_266 : f32
    %sub3A_273 = arith.constant 1.000000e+00 : f32
    %sub3A_274 = arith.subf %select_n3A_260, %sub3A_273 : f32
    %eq3A_275 = arith.constant 1.000000e+00 : f32
    %eq3A_276 = arith.cmpf oeq, %sub3A_274, %eq3A_275 : f32
    %and3A_277 = arith.andi %and3A_249, %eq3A_276 : i1
    %sub3A_278 = arith.constant 1.000000e+00 : f32
    %sub3A_279 = arith.subf %add3A_271, %sub3A_278 : f32
    %eq3A_280 = arith.constant 1.000000e+00 : f32
    %eq3A_281 = arith.cmpf oeq, %sub3A_279, %eq3A_280 : f32
    %and3A_282 = arith.andi %and3A_253, %eq3A_281 : i1
    %sub3A_283 = arith.constant 1.000000e+00 : f32
    %sub3A_284 = arith.subf %add3A_272, %sub3A_283 : f32
    %eq3A_285 = arith.constant 1.000000e+00 : f32
    %eq3A_286 = arith.cmpf oeq, %sub3A_284, %eq3A_285 : f32
    %and3A_287 = arith.andi %and3A_257, %eq3A_286 : i1
    %select_n3A_288 = arith.select %and3A_287, %sub3A_189, %sub3A_115 : vector<1x4224xf32>
    %select_n3A_289 = arith.select %and3A_282, %sub3A_152, %select_n3A_288 : vector<1x4224xf32>
    %select_n3A_290 = arith.select %and3A_277, %sub3A_115, %select_n3A_289 : vector<1x4224xf32>
    %jit3A_291 = arith.constant 0x7F800000 : f32
    %broadcast_in_dim3A_292 = vector.broadcast %jit3A_291 : f32 to vector<1x4224xf32>
    %select_n3A_293 = arith.select %and3A_245, %select_n3A_290, %broadcast_in_dim3A_292 : vector<1x4224xi1>, vector<1x4224xf32>
    %reduce_min3A_294 = vector.shape_cast %select_n3A_293 : vector<1x4224xf32> to vector<1x1x4224xf32>
    %reduce_min3A_295 = arith.constant dense<0x7F800000> : vector<1xf32>
    %reduce_min3A_296 = vector.multi_reduction <minimumf>, %reduce_min3A_294, %reduce_min3A_295 [1, 2] : vector<1x1x4224xf32> to vector<1xf32>
    %reduce_min3A_297 = vector.shape_cast %reduce_min3A_296 : vector<1xf32> to vector<1x1x1xf32>
    %reduce_min3A_298 = vector.extract %reduce_min3A_297[0, 0, 0] : f32 from vector<1x1x1xf32>
    %eq3A_299 = vector.broadcast %reduce_min3A_298 : f32 to vector<1x4224xf32>
    %eq3A_300 = arith.cmpf oeq, %select_n3A_293, %eq3A_299 : vector<1x4224xf32>
    %jit3A_301 = arith.constant 1073741824 : i32
    %broadcast_in_dim3A_302 = vector.broadcast %jit3A_301 : i32 to vector<1x4224xi32>
    %select_n3A_303 = arith.select %eq3A_300, %iota3A, %broadcast_in_dim3A_302 : vector<1x4224xi1>, vector<1x4224xi32>
    %reduce_min3A_304 = vector.shape_cast %select_n3A_303 : vector<1x4224xi32> to vector<1x1x4224xi32>
    %reduce_min3A_305 = arith.constant dense<2147483647> : vector<1xi32>
    %reduce_min3A_306 = vector.multi_reduction <minsi>, %reduce_min3A_304, %reduce_min3A_305 [1, 2] : vector<1x1x4224xi32> to vector<1xi32>
    %reduce_min3A_307 = vector.shape_cast %reduce_min3A_306 : vector<1xi32> to vector<1x1x1xi32>
    %reduce_min3A_308 = vector.extract %reduce_min3A_307[0, 0, 0] : i32 from vector<1x1x1xi32>
    %lt3A_309 = arith.constant 9.99999993E+36 : f32
    %lt3A_310 = arith.cmpf olt, %reduce_min3A_298, %lt3A_309 : f32
    %and3A_311 = arith.andi %lt3A_270, %lt3A_310 : i1
    %jit3A_312 = arith.constant 0.000000e+00 : f32
    %select_n3A_313 = arith.select %and3A_311, %reduce_min3A_298, %jit3A_312 : f32
    %add3A_314 = arith.addf %add3A_239, %select_n3A_313 : f32
    %eq3A_315 = vector.broadcast %reduce_min3A_308 : i32 to vector<1x4224xi32>
    %eq3A_316 = arith.cmpi eq, %iota3A, %eq3A_315 : vector<1x4224xi32>
    %and3A_317 = vector.broadcast %and3A_311 : i1 to vector<1x4224xi1>
    %and3A_318 = arith.andi %and3A_317, %eq3A_316 : vector<1x4224xi1>
    %not3A_319 = arith.constant dense<true> : vector<1x4224xi1>
    %not3A_320 = arith.xori %and3A_318, %not3A_319 : vector<1x4224xi1>
    %and3A_321 = arith.andi %and3A_245, %not3A_320 : vector<1x4224xi1>
    %and3A_322 = arith.andi %and3A_311, %and3A_277 : i1
    %not3A_323 = arith.constant true
    %not3A_324 = arith.xori %and3A_322, %not3A_323 : i1
    %and3A_325 = arith.andi %and3A_249, %not3A_324 : i1
    %and3A_326 = arith.andi %and3A_311, %and3A_282 : i1
    %not3A_327 = arith.constant true
    %not3A_328 = arith.xori %and3A_326, %not3A_327 : i1
    %and3A_329 = arith.andi %and3A_253, %not3A_328 : i1
    %and3A_330 = arith.andi %and3A_311, %and3A_287 : i1
    %not3A_331 = arith.constant true
    %not3A_332 = arith.xori %and3A_330, %not3A_331 : i1
    %and3A_333 = arith.andi %and3A_257, %not3A_332 : i1
    %jit3A_334 = arith.constant 1.000000e+00 : f32
    %jit3A_335 = arith.constant 0.000000e+00 : f32
    %select_n3A_336 = arith.select %and3A_325, %jit3A_334, %jit3A_335 : f32
    %jit3A_337 = arith.constant 1.000000e+00 : f32
    %jit3A_338 = arith.constant 0.000000e+00 : f32
    %select_n3A_339 = arith.select %and3A_329, %jit3A_337, %jit3A_338 : f32
    %jit3A_340 = arith.constant 1.000000e+00 : f32
    %jit3A_341 = arith.constant 0.000000e+00 : f32
    %select_n3A_342 = arith.select %and3A_333, %jit3A_340, %jit3A_341 : f32
    %add3A_343 = arith.addf %select_n3A_336, %select_n3A_339 : f32
    %add3A_344 = arith.addf %add3A_343, %select_n3A_342 : f32
    %lt3A_345 = arith.constant 2.000000e+00 : f32
    %lt3A_346 = arith.cmpf olt, %lt3A_345, %add3A_344 : f32
    %add3A_347 = arith.addf %select_n3A_336, %select_n3A_339 : f32
    %add3A_348 = arith.addf %add3A_347, %select_n3A_342 : f32
    %sub3A_349 = arith.constant 1.000000e+00 : f32
    %sub3A_350 = arith.subf %select_n3A_336, %sub3A_349 : f32
    %eq3A_351 = arith.constant 2.000000e+00 : f32
    %eq3A_352 = arith.cmpf oeq, %sub3A_350, %eq3A_351 : f32
    %and3A_353 = arith.andi %and3A_325, %eq3A_352 : i1
    %sub3A_354 = arith.constant 1.000000e+00 : f32
    %sub3A_355 = arith.subf %add3A_347, %sub3A_354 : f32
    %eq3A_356 = arith.constant 2.000000e+00 : f32
    %eq3A_357 = arith.cmpf oeq, %sub3A_355, %eq3A_356 : f32
    %and3A_358 = arith.andi %and3A_329, %eq3A_357 : i1
    %sub3A_359 = arith.constant 1.000000e+00 : f32
    %sub3A_360 = arith.subf %add3A_348, %sub3A_359 : f32
    %eq3A_361 = arith.constant 2.000000e+00 : f32
    %eq3A_362 = arith.cmpf oeq, %sub3A_360, %eq3A_361 : f32
    %and3A_363 = arith.andi %and3A_333, %eq3A_362 : i1
    %select_n3A_364 = arith.select %and3A_363, %sub3A_189, %sub3A_115 : vector<1x4224xf32>
    %select_n3A_365 = arith.select %and3A_358, %sub3A_152, %select_n3A_364 : vector<1x4224xf32>
    %select_n3A_366 = arith.select %and3A_353, %sub3A_115, %select_n3A_365 : vector<1x4224xf32>
    %jit3A_367 = arith.constant 0x7F800000 : f32
    %broadcast_in_dim3A_368 = vector.broadcast %jit3A_367 : f32 to vector<1x4224xf32>
    %select_n3A_369 = arith.select %and3A_321, %select_n3A_366, %broadcast_in_dim3A_368 : vector<1x4224xi1>, vector<1x4224xf32>
    %reduce_min3A_370 = vector.shape_cast %select_n3A_369 : vector<1x4224xf32> to vector<1x1x4224xf32>
    %reduce_min3A_371 = arith.constant dense<0x7F800000> : vector<1xf32>
    %reduce_min3A_372 = vector.multi_reduction <minimumf>, %reduce_min3A_370, %reduce_min3A_371 [1, 2] : vector<1x1x4224xf32> to vector<1xf32>
    %reduce_min3A_373 = vector.shape_cast %reduce_min3A_372 : vector<1xf32> to vector<1x1x1xf32>
    %reduce_min3A_374 = vector.extract %reduce_min3A_373[0, 0, 0] : f32 from vector<1x1x1xf32>
    %eq3A_375 = vector.broadcast %reduce_min3A_374 : f32 to vector<1x4224xf32>
    %eq3A_376 = arith.cmpf oeq, %select_n3A_369, %eq3A_375 : vector<1x4224xf32>
    %jit3A_377 = arith.constant 1073741824 : i32
    %broadcast_in_dim3A_378 = vector.broadcast %jit3A_377 : i32 to vector<1x4224xi32>
    %select_n3A_379 = arith.select %eq3A_376, %iota3A, %broadcast_in_dim3A_378 : vector<1x4224xi1>, vector<1x4224xi32>
    %reduce_min3A_380 = vector.shape_cast %select_n3A_379 : vector<1x4224xi32> to vector<1x1x4224xi32>
    %reduce_min3A_381 = arith.constant dense<2147483647> : vector<1xi32>
    %reduce_min3A_382 = vector.multi_reduction <minsi>, %reduce_min3A_380, %reduce_min3A_381 [1, 2] : vector<1x1x4224xi32> to vector<1xi32>
    %reduce_min3A_383 = vector.shape_cast %reduce_min3A_382 : vector<1xi32> to vector<1x1x1xi32>
    %reduce_min3A_384 = vector.extract %reduce_min3A_383[0, 0, 0] : i32 from vector<1x1x1xi32>
    %lt3A_385 = arith.constant 9.99999993E+36 : f32
    %lt3A_386 = arith.cmpf olt, %reduce_min3A_374, %lt3A_385 : f32
    %and3A_387 = arith.andi %lt3A_346, %lt3A_386 : i1
    %jit3A_388 = arith.constant 0.000000e+00 : f32
    %select_n3A_389 = arith.select %and3A_387, %reduce_min3A_374, %jit3A_388 : f32
    %add3A_390 = arith.addf %add3A_314, %select_n3A_389 : f32
    %eq3A_391 = vector.broadcast %reduce_min3A_384 : i32 to vector<1x4224xi32>
    %eq3A_392 = arith.cmpi eq, %iota3A, %eq3A_391 : vector<1x4224xi32>
    %and3A_393 = vector.broadcast %and3A_387 : i1 to vector<1x4224xi1>
    %and3A_394 = arith.andi %and3A_393, %eq3A_392 : vector<1x4224xi1>
    %not3A_395 = arith.constant dense<true> : vector<1x4224xi1>
    %not3A_396 = arith.xori %and3A_394, %not3A_395 : vector<1x4224xi1>
    %and3A_397 = arith.andi %and3A_321, %not3A_396 : vector<1x4224xi1>
    %and3A_398 = arith.andi %and3A_387, %and3A_353 : i1
    %not3A_399 = arith.constant true
    %not3A_400 = arith.xori %and3A_398, %not3A_399 : i1
    %and3A_401 = arith.andi %and3A_325, %not3A_400 : i1
    %and3A_402 = arith.andi %and3A_387, %and3A_358 : i1
    %not3A_403 = arith.constant true
    %not3A_404 = arith.xori %and3A_402, %not3A_403 : i1
    %and3A_405 = arith.andi %and3A_329, %not3A_404 : i1
    %and3A_406 = arith.andi %and3A_387, %and3A_363 : i1
    %not3A_407 = arith.constant true
    %not3A_408 = arith.xori %and3A_406, %not3A_407 : i1
    %and3A_409 = arith.andi %and3A_333, %not3A_408 : i1
    %jit3A_410 = arith.constant 1.000000e+00 : f32
    %jit3A_411 = arith.constant 0.000000e+00 : f32
    %broadcast_in_dim3A_412 = vector.broadcast %jit3A_410 : f32 to vector<1x4224xf32>
    %broadcast_in_dim3A_413 = vector.broadcast %jit3A_411 : f32 to vector<1x4224xf32>
    %select_n3A_414 = arith.select %and3A_397, %broadcast_in_dim3A_412, %broadcast_in_dim3A_413 : vector<1x4224xi1>, vector<1x4224xf32>
    %reduce_sum3A = vector.shape_cast %select_n3A_414 : vector<1x4224xf32> to vector<1x1x4224xf32>
    %reduce_sum3A_415 = arith.constant dense<0.000000e+00> : vector<1xf32>
    %reduce_sum3A_416 = vector.multi_reduction <add>, %reduce_sum3A, %reduce_sum3A_415 [1, 2] : vector<1x1x4224xf32> to vector<1xf32>
    %reduce_sum3A_417 = vector.shape_cast %reduce_sum3A_416 : vector<1xf32> to vector<1x1x1xf32>
    %reduce_sum3A_418 = vector.extract %reduce_sum3A_417[0, 0, 0] : f32 from vector<1x1x1xf32>
    %add3A_419 = arith.addf %add3A_390, %reduce_sum3A_418 : f32
    %select_n3A_420 = arith.select %gt3A_19, %add3A_419, %get3A_2 : f32
    %select_n3A_421 = arith.select %gt3A_19, %and3A_401, %gt3A_27 : i1
    %select_n3A_422 = arith.select %gt3A_19, %and3A_405, %gt3A_29 : i1
    %select_n3A_423 = arith.select %gt3A_19, %and3A_409, %gt3A_31 : i1
    %get3A_424 = arith.constant 1 : index
    %get3A_425 = arith.constant 0 : index
    %get3A_426 = vector.load %arg0[%get3A_424, %get3A_425] : memref<2x50688xf32, #tpu.memory_space<vmem>>, vector<1x4224xf32>
    %get3A_427 = arith.constant 1 : index
    %get3A_428 = arith.constant 4224 : index
    %get3A_429 = vector.load %arg0[%get3A_427, %get3A_428] : memref<2x50688xf32, #tpu.memory_space<vmem>>, vector<1x4224xf32>
    %get3A_430 = arith.constant 1 : index
    %get3A_431 = arith.constant 8448 : index
    %get3A_432 = vector.load %arg0[%get3A_430, %get3A_431] : memref<2x50688xf32, #tpu.memory_space<vmem>>, vector<1x4224xf32>
    %get3A_433 = arith.constant 1 : index
    %get3A_434 = arith.constant 12672 : index
    %get3A_435 = vector.load %arg0[%get3A_433, %get3A_434] : memref<2x50688xf32, #tpu.memory_space<vmem>>, vector<1x4224xf32>
    %get3A_436 = arith.constant 1 : index
    %get3A_437 = arith.constant 16896 : index
    %get3A_438 = vector.load %arg0[%get3A_436, %get3A_437] : memref<2x50688xf32, #tpu.memory_space<vmem>>, vector<1x4224xf32>
    %get3A_439 = arith.constant 1 : index
    %get3A_440 = arith.constant 21120 : index
    %get3A_441 = vector.load %arg0[%get3A_439, %get3A_440] : memref<2x50688xf32, #tpu.memory_space<vmem>>, vector<1x4224xf32>
    %get3A_442 = arith.constant 1 : index
    %get3A_443 = arith.constant 25344 : index
    %get3A_444 = vector.load %arg0[%get3A_442, %get3A_443] : memref<2x50688xf32, #tpu.memory_space<vmem>>, vector<1x4224xf32>
    %get3A_445 = arith.constant 1 : index
    %get3A_446 = arith.constant 29568 : index
    %get3A_447 = vector.load %arg0[%get3A_445, %get3A_446] : memref<2x50688xf32, #tpu.memory_space<vmem>>, vector<1x4224xf32>
    %get3A_448 = arith.constant 1 : index
    %get3A_449 = arith.constant 33792 : index
    %get3A_450 = vector.load %arg0[%get3A_448, %get3A_449] : memref<2x50688xf32, #tpu.memory_space<vmem>>, vector<1x4224xf32>
    %get3A_451 = arith.constant 1 : index
    %get3A_452 = arith.constant 38016 : index
    %get3A_453 = vector.load %arg0[%get3A_451, %get3A_452] : memref<2x50688xf32, #tpu.memory_space<vmem>>, vector<1x4224xf32>
    %get3A_454 = arith.constant 1 : index
    %get3A_455 = arith.constant 42240 : index
    %get3A_456 = vector.load %arg0[%get3A_454, %get3A_455] : memref<2x50688xf32, #tpu.memory_space<vmem>>, vector<1x4224xf32>
    %get3A_457 = arith.constant 1 : index
    %get3A_458 = arith.constant 46464 : index
    %get3A_459 = vector.load %arg0[%get3A_457, %get3A_458] : memref<2x50688xf32, #tpu.memory_space<vmem>>, vector<1x4224xf32>
    %add3A_460 = arith.addf %get3A_426, %get3A_429 : vector<1x4224xf32>
    %add3A_461 = arith.addf %add3A_460, %get3A_432 : vector<1x4224xf32>
    %add3A_462 = arith.addf %get3A_435, %get3A_438 : vector<1x4224xf32>
    %add3A_463 = arith.addf %add3A_462, %get3A_441 : vector<1x4224xf32>
    %add3A_464 = arith.addf %get3A_453, %get3A_456 : vector<1x4224xf32>
    %add3A_465 = arith.addf %add3A_464, %get3A_459 : vector<1x4224xf32>
    %gt3A_466 = arith.constant 0.000000e+00 : f32
    %gt3A_467 = vector.broadcast %gt3A_466 : f32 to vector<1x4224xf32>
    %gt3A_468 = arith.cmpf ogt, %add3A_461, %gt3A_467 : vector<1x4224xf32>
    %sub3A_469 = arith.constant 4.096000e+03 : f32
    %sub3A_470 = vector.broadcast %sub3A_469 : f32 to vector<1x4224xf32>
    %sub3A_471 = arith.subf %sub3A_470, %add3A_461 : vector<1x4224xf32>
    %mul3A_472 = arith.constant 5.000000e-01 : f32
    %mul3A_473 = vector.broadcast %mul3A_472 : f32 to vector<1x4224xf32>
    %mul3A_474 = arith.mulf %mul3A_473, %sub3A_471 : vector<1x4224xf32>
    %add3A_475 = arith.addf %add3A_463, %mul3A_474 : vector<1x4224xf32>
    %sub3A_476 = arith.subf %add3A_465, %get3A_453 : vector<1x4224xf32>
    %add3A_477 = arith.addf %get3A_444, %sub3A_476 : vector<1x4224xf32>
    %sub3A_478 = arith.constant 4.096000e+03 : f32
    %sub3A_479 = vector.broadcast %sub3A_478 : f32 to vector<1x4224xf32>
    %sub3A_480 = arith.subf %sub3A_479, %add3A_461 : vector<1x4224xf32>
    %mul3A_481 = arith.constant -6.931470e-01 : f32
    %mul3A_482 = vector.broadcast %mul3A_481 : f32 to vector<1x4224xf32>
    %mul3A_483 = arith.mulf %sub3A_480, %mul3A_482 : vector<1x4224xf32>
    %add3A_484 = arith.addf %add3A_477, %mul3A_483 : vector<1x4224xf32>
    %sub3A_485 = vector.broadcast %get3A_6 : f32 to vector<1x4224xf32>
    %sub3A_486 = arith.subf %sub3A_485, %get3A_426 : vector<1x4224xf32>
    %mul3A_487 = arith.constant 5.000000e-01 : f32
    %mul3A_488 = vector.broadcast %mul3A_487 : f32 to vector<1x4224xf32>
    %mul3A_489 = arith.mulf %mul3A_488, %sub3A_486 : vector<1x4224xf32>
    %add3A_490 = arith.addf %get3A_435, %mul3A_489 : vector<1x4224xf32>
    %neg3A_491 = arith.constant 0.000000e+00 : f32
    %neg3A_492 = vector.broadcast %neg3A_491 : f32 to vector<1x4224xf32>
    %neg3A_493 = arith.subf %neg3A_492, %add3A_484 : vector<1x4224xf32>
    %div3A_494 = arith.constant 4.096000e+03 : f32
    %div3A_495 = vector.broadcast %div3A_494 : f32 to vector<1x4224xf32>
    %div3A_496 = arith.divf %neg3A_493, %div3A_495 : vector<1x4224xf32>
    %add3A_497 = arith.constant 1.000000e+00 : f32
    %add3A_498 = vector.broadcast %add3A_497 : f32 to vector<1x4224xf32>
    %add3A_499 = arith.addf %div3A_496, %add3A_498 : vector<1x4224xf32>
    %mul3A_500 = arith.constant 2.000000e+00 : f32
    %mul3A_501 = vector.broadcast %mul3A_500 : f32 to vector<1x4224xf32>
    %mul3A_502 = arith.mulf %mul3A_501, %add3A_490 : vector<1x4224xf32>
    %add3A_503 = arith.constant 1.000000e+00 : f32
    %add3A_504 = vector.broadcast %add3A_503 : f32 to vector<1x4224xf32>
    %add3A_505 = arith.addf %mul3A_502, %add3A_504 : vector<1x4224xf32>
    %add3A_506 = vector.broadcast %get3A_6 : f32 to vector<1x4224xf32>
    %add3A_507 = arith.addf %add3A_475, %add3A_506 : vector<1x4224xf32>
    %add3A_508 = arith.constant 1.000000e+00 : f32
    %add3A_509 = vector.broadcast %add3A_508 : f32 to vector<1x4224xf32>
    %add3A_510 = arith.addf %add3A_507, %add3A_509 : vector<1x4224xf32>
    %div3A_511 = arith.divf %add3A_505, %add3A_510 : vector<1x4224xf32>
    %sub3A_512 = arith.subf %add3A_499, %div3A_511 : vector<1x4224xf32>
    %sub3A_513 = arith.subf %add3A_465, %get3A_456 : vector<1x4224xf32>
    %add3A_514 = arith.addf %get3A_447, %sub3A_513 : vector<1x4224xf32>
    %sub3A_515 = arith.constant 4.096000e+03 : f32
    %sub3A_516 = vector.broadcast %sub3A_515 : f32 to vector<1x4224xf32>
    %sub3A_517 = arith.subf %sub3A_516, %add3A_461 : vector<1x4224xf32>
    %mul3A_518 = arith.constant -6.931470e-01 : f32
    %mul3A_519 = vector.broadcast %mul3A_518 : f32 to vector<1x4224xf32>
    %mul3A_520 = arith.mulf %sub3A_517, %mul3A_519 : vector<1x4224xf32>
    %add3A_521 = arith.addf %add3A_514, %mul3A_520 : vector<1x4224xf32>
    %sub3A_522 = vector.broadcast %get3A_10 : f32 to vector<1x4224xf32>
    %sub3A_523 = arith.subf %sub3A_522, %get3A_429 : vector<1x4224xf32>
    %mul3A_524 = arith.constant 5.000000e-01 : f32
    %mul3A_525 = vector.broadcast %mul3A_524 : f32 to vector<1x4224xf32>
    %mul3A_526 = arith.mulf %mul3A_525, %sub3A_523 : vector<1x4224xf32>
    %add3A_527 = arith.addf %get3A_438, %mul3A_526 : vector<1x4224xf32>
    %neg3A_528 = arith.constant 0.000000e+00 : f32
    %neg3A_529 = vector.broadcast %neg3A_528 : f32 to vector<1x4224xf32>
    %neg3A_530 = arith.subf %neg3A_529, %add3A_521 : vector<1x4224xf32>
    %div3A_531 = arith.constant 4.096000e+03 : f32
    %div3A_532 = vector.broadcast %div3A_531 : f32 to vector<1x4224xf32>
    %div3A_533 = arith.divf %neg3A_530, %div3A_532 : vector<1x4224xf32>
    %add3A_534 = arith.constant 1.000000e+00 : f32
    %add3A_535 = vector.broadcast %add3A_534 : f32 to vector<1x4224xf32>
    %add3A_536 = arith.addf %div3A_533, %add3A_535 : vector<1x4224xf32>
    %mul3A_537 = arith.constant 2.000000e+00 : f32
    %mul3A_538 = vector.broadcast %mul3A_537 : f32 to vector<1x4224xf32>
    %mul3A_539 = arith.mulf %mul3A_538, %add3A_527 : vector<1x4224xf32>
    %add3A_540 = arith.constant 1.000000e+00 : f32
    %add3A_541 = vector.broadcast %add3A_540 : f32 to vector<1x4224xf32>
    %add3A_542 = arith.addf %mul3A_539, %add3A_541 : vector<1x4224xf32>
    %add3A_543 = vector.broadcast %get3A_10 : f32 to vector<1x4224xf32>
    %add3A_544 = arith.addf %add3A_475, %add3A_543 : vector<1x4224xf32>
    %add3A_545 = arith.constant 1.000000e+00 : f32
    %add3A_546 = vector.broadcast %add3A_545 : f32 to vector<1x4224xf32>
    %add3A_547 = arith.addf %add3A_544, %add3A_546 : vector<1x4224xf32>
    %div3A_548 = arith.divf %add3A_542, %add3A_547 : vector<1x4224xf32>
    %sub3A_549 = arith.subf %add3A_536, %div3A_548 : vector<1x4224xf32>
    %sub3A_550 = arith.subf %add3A_465, %get3A_459 : vector<1x4224xf32>
    %add3A_551 = arith.addf %get3A_450, %sub3A_550 : vector<1x4224xf32>
    %sub3A_552 = arith.constant 4.096000e+03 : f32
    %sub3A_553 = vector.broadcast %sub3A_552 : f32 to vector<1x4224xf32>
    %sub3A_554 = arith.subf %sub3A_553, %add3A_461 : vector<1x4224xf32>
    %mul3A_555 = arith.constant -6.931470e-01 : f32
    %mul3A_556 = vector.broadcast %mul3A_555 : f32 to vector<1x4224xf32>
    %mul3A_557 = arith.mulf %sub3A_554, %mul3A_556 : vector<1x4224xf32>
    %add3A_558 = arith.addf %add3A_551, %mul3A_557 : vector<1x4224xf32>
    %sub3A_559 = vector.broadcast %get3A_14 : f32 to vector<1x4224xf32>
    %sub3A_560 = arith.subf %sub3A_559, %get3A_432 : vector<1x4224xf32>
    %mul3A_561 = arith.constant 5.000000e-01 : f32
    %mul3A_562 = vector.broadcast %mul3A_561 : f32 to vector<1x4224xf32>
    %mul3A_563 = arith.mulf %mul3A_562, %sub3A_560 : vector<1x4224xf32>
    %add3A_564 = arith.addf %get3A_441, %mul3A_563 : vector<1x4224xf32>
    %neg3A_565 = arith.constant 0.000000e+00 : f32
    %neg3A_566 = vector.broadcast %neg3A_565 : f32 to vector<1x4224xf32>
    %neg3A_567 = arith.subf %neg3A_566, %add3A_558 : vector<1x4224xf32>
    %div3A_568 = arith.constant 4.096000e+03 : f32
    %div3A_569 = vector.broadcast %div3A_568 : f32 to vector<1x4224xf32>
    %div3A_570 = arith.divf %neg3A_567, %div3A_569 : vector<1x4224xf32>
    %add3A_571 = arith.constant 1.000000e+00 : f32
    %add3A_572 = vector.broadcast %add3A_571 : f32 to vector<1x4224xf32>
    %add3A_573 = arith.addf %div3A_570, %add3A_572 : vector<1x4224xf32>
    %mul3A_574 = arith.constant 2.000000e+00 : f32
    %mul3A_575 = vector.broadcast %mul3A_574 : f32 to vector<1x4224xf32>
    %mul3A_576 = arith.mulf %mul3A_575, %add3A_564 : vector<1x4224xf32>
    %add3A_577 = arith.constant 1.000000e+00 : f32
    %add3A_578 = vector.broadcast %add3A_577 : f32 to vector<1x4224xf32>
    %add3A_579 = arith.addf %mul3A_576, %add3A_578 : vector<1x4224xf32>
    %add3A_580 = vector.broadcast %get3A_14 : f32 to vector<1x4224xf32>
    %add3A_581 = arith.addf %add3A_475, %add3A_580 : vector<1x4224xf32>
    %add3A_582 = arith.constant 1.000000e+00 : f32
    %add3A_583 = vector.broadcast %add3A_582 : f32 to vector<1x4224xf32>
    %add3A_584 = arith.addf %add3A_581, %add3A_583 : vector<1x4224xf32>
    %div3A_585 = arith.divf %add3A_579, %add3A_584 : vector<1x4224xf32>
    %sub3A_586 = arith.subf %add3A_573, %div3A_585 : vector<1x4224xf32>
    %jit3A_587 = arith.constant 1.000000e+00 : f32
    %jit3A_588 = arith.constant 0.000000e+00 : f32
    %select_n3A_589 = arith.select %select_n3A_421, %jit3A_587, %jit3A_588 : f32
    %jit3A_590 = arith.constant 1.000000e+00 : f32
    %jit3A_591 = arith.constant 0.000000e+00 : f32
    %select_n3A_592 = arith.select %select_n3A_422, %jit3A_590, %jit3A_591 : f32
    %jit3A_593 = arith.constant 1.000000e+00 : f32
    %jit3A_594 = arith.constant 0.000000e+00 : f32
    %select_n3A_595 = arith.select %select_n3A_423, %jit3A_593, %jit3A_594 : f32
    %add3A_596 = arith.addf %select_n3A_589, %select_n3A_592 : f32
    %add3A_597 = arith.addf %add3A_596, %select_n3A_595 : f32
    %lt3A_598 = arith.constant 0.000000e+00 : f32
    %lt3A_599 = arith.cmpf olt, %lt3A_598, %add3A_597 : f32
    %add3A_600 = arith.addf %select_n3A_589, %select_n3A_592 : f32
    %add3A_601 = arith.addf %add3A_600, %select_n3A_595 : f32
    %sub3A_602 = arith.constant 1.000000e+00 : f32
    %sub3A_603 = arith.subf %select_n3A_589, %sub3A_602 : f32
    %eq3A_604 = arith.constant 0.000000e+00 : f32
    %eq3A_605 = arith.cmpf oeq, %sub3A_603, %eq3A_604 : f32
    %and3A_606 = arith.andi %select_n3A_421, %eq3A_605 : i1
    %sub3A_607 = arith.constant 1.000000e+00 : f32
    %sub3A_608 = arith.subf %add3A_600, %sub3A_607 : f32
    %eq3A_609 = arith.constant 0.000000e+00 : f32
    %eq3A_610 = arith.cmpf oeq, %sub3A_608, %eq3A_609 : f32
    %and3A_611 = arith.andi %select_n3A_422, %eq3A_610 : i1
    %sub3A_612 = arith.constant 1.000000e+00 : f32
    %sub3A_613 = arith.subf %add3A_601, %sub3A_612 : f32
    %eq3A_614 = arith.constant 0.000000e+00 : f32
    %eq3A_615 = arith.cmpf oeq, %sub3A_613, %eq3A_614 : f32
    %and3A_616 = arith.andi %select_n3A_423, %eq3A_615 : i1
    %select_n3A_617 = arith.select %and3A_616, %sub3A_586, %sub3A_512 : vector<1x4224xf32>
    %select_n3A_618 = arith.select %and3A_611, %sub3A_549, %select_n3A_617 : vector<1x4224xf32>
    %select_n3A_619 = arith.select %and3A_606, %sub3A_512, %select_n3A_618 : vector<1x4224xf32>
    %jit3A_620 = arith.constant 0x7F800000 : f32
    %broadcast_in_dim3A_621 = vector.broadcast %jit3A_620 : f32 to vector<1x4224xf32>
    %select_n3A_622 = arith.select %gt3A_468, %select_n3A_619, %broadcast_in_dim3A_621 : vector<1x4224xi1>, vector<1x4224xf32>
    %reduce_min3A_623 = vector.shape_cast %select_n3A_622 : vector<1x4224xf32> to vector<1x1x4224xf32>
    %reduce_min3A_624 = arith.constant dense<0x7F800000> : vector<1xf32>
    %reduce_min3A_625 = vector.multi_reduction <minimumf>, %reduce_min3A_623, %reduce_min3A_624 [1, 2] : vector<1x1x4224xf32> to vector<1xf32>
    %reduce_min3A_626 = vector.shape_cast %reduce_min3A_625 : vector<1xf32> to vector<1x1x1xf32>
    %reduce_min3A_627 = vector.extract %reduce_min3A_626[0, 0, 0] : f32 from vector<1x1x1xf32>
    %eq3A_628 = vector.broadcast %reduce_min3A_627 : f32 to vector<1x4224xf32>
    %eq3A_629 = arith.cmpf oeq, %select_n3A_622, %eq3A_628 : vector<1x4224xf32>
    %jit3A_630 = arith.constant 1073741824 : i32
    %broadcast_in_dim3A_631 = vector.broadcast %jit3A_630 : i32 to vector<1x4224xi32>
    %select_n3A_632 = arith.select %eq3A_629, %iota3A, %broadcast_in_dim3A_631 : vector<1x4224xi1>, vector<1x4224xi32>
    %reduce_min3A_633 = vector.shape_cast %select_n3A_632 : vector<1x4224xi32> to vector<1x1x4224xi32>
    %reduce_min3A_634 = arith.constant dense<2147483647> : vector<1xi32>
    %reduce_min3A_635 = vector.multi_reduction <minsi>, %reduce_min3A_633, %reduce_min3A_634 [1, 2] : vector<1x1x4224xi32> to vector<1xi32>
    %reduce_min3A_636 = vector.shape_cast %reduce_min3A_635 : vector<1xi32> to vector<1x1x1xi32>
    %reduce_min3A_637 = vector.extract %reduce_min3A_636[0, 0, 0] : i32 from vector<1x1x1xi32>
    %lt3A_638 = arith.constant 9.99999993E+36 : f32
    %lt3A_639 = arith.cmpf olt, %reduce_min3A_627, %lt3A_638 : f32
    %and3A_640 = arith.andi %lt3A_599, %lt3A_639 : i1
    %jit3A_641 = arith.constant 0.000000e+00 : f32
    %select_n3A_642 = arith.select %and3A_640, %reduce_min3A_627, %jit3A_641 : f32
    %add3A_643 = arith.addf %select_n3A_420, %select_n3A_642 : f32
    %eq3A_644 = vector.broadcast %reduce_min3A_637 : i32 to vector<1x4224xi32>
    %eq3A_645 = arith.cmpi eq, %iota3A, %eq3A_644 : vector<1x4224xi32>
    %and3A_646 = vector.broadcast %and3A_640 : i1 to vector<1x4224xi1>
    %and3A_647 = arith.andi %and3A_646, %eq3A_645 : vector<1x4224xi1>
    %not3A_648 = arith.constant dense<true> : vector<1x4224xi1>
    %not3A_649 = arith.xori %and3A_647, %not3A_648 : vector<1x4224xi1>
    %and3A_650 = arith.andi %gt3A_468, %not3A_649 : vector<1x4224xi1>
    %and3A_651 = arith.andi %and3A_640, %and3A_606 : i1
    %not3A_652 = arith.constant true
    %not3A_653 = arith.xori %and3A_651, %not3A_652 : i1
    %and3A_654 = arith.andi %select_n3A_421, %not3A_653 : i1
    %and3A_655 = arith.andi %and3A_640, %and3A_611 : i1
    %not3A_656 = arith.constant true
    %not3A_657 = arith.xori %and3A_655, %not3A_656 : i1
    %and3A_658 = arith.andi %select_n3A_422, %not3A_657 : i1
    %and3A_659 = arith.andi %and3A_640, %and3A_616 : i1
    %not3A_660 = arith.constant true
    %not3A_661 = arith.xori %and3A_659, %not3A_660 : i1
    %and3A_662 = arith.andi %select_n3A_423, %not3A_661 : i1
    %jit3A_663 = arith.constant 1.000000e+00 : f32
    %jit3A_664 = arith.constant 0.000000e+00 : f32
    %select_n3A_665 = arith.select %and3A_654, %jit3A_663, %jit3A_664 : f32
    %jit3A_666 = arith.constant 1.000000e+00 : f32
    %jit3A_667 = arith.constant 0.000000e+00 : f32
    %select_n3A_668 = arith.select %and3A_658, %jit3A_666, %jit3A_667 : f32
    %jit3A_669 = arith.constant 1.000000e+00 : f32
    %jit3A_670 = arith.constant 0.000000e+00 : f32
    %select_n3A_671 = arith.select %and3A_662, %jit3A_669, %jit3A_670 : f32
    %add3A_672 = arith.addf %select_n3A_665, %select_n3A_668 : f32
    %add3A_673 = arith.addf %add3A_672, %select_n3A_671 : f32
    %lt3A_674 = arith.constant 1.000000e+00 : f32
    %lt3A_675 = arith.cmpf olt, %lt3A_674, %add3A_673 : f32
    %add3A_676 = arith.addf %select_n3A_665, %select_n3A_668 : f32
    %add3A_677 = arith.addf %add3A_676, %select_n3A_671 : f32
    %sub3A_678 = arith.constant 1.000000e+00 : f32
    %sub3A_679 = arith.subf %select_n3A_665, %sub3A_678 : f32
    %eq3A_680 = arith.constant 1.000000e+00 : f32
    %eq3A_681 = arith.cmpf oeq, %sub3A_679, %eq3A_680 : f32
    %and3A_682 = arith.andi %and3A_654, %eq3A_681 : i1
    %sub3A_683 = arith.constant 1.000000e+00 : f32
    %sub3A_684 = arith.subf %add3A_676, %sub3A_683 : f32
    %eq3A_685 = arith.constant 1.000000e+00 : f32
    %eq3A_686 = arith.cmpf oeq, %sub3A_684, %eq3A_685 : f32
    %and3A_687 = arith.andi %and3A_658, %eq3A_686 : i1
    %sub3A_688 = arith.constant 1.000000e+00 : f32
    %sub3A_689 = arith.subf %add3A_677, %sub3A_688 : f32
    %eq3A_690 = arith.constant 1.000000e+00 : f32
    %eq3A_691 = arith.cmpf oeq, %sub3A_689, %eq3A_690 : f32
    %and3A_692 = arith.andi %and3A_662, %eq3A_691 : i1
    %select_n3A_693 = arith.select %and3A_692, %sub3A_586, %sub3A_512 : vector<1x4224xf32>
    %select_n3A_694 = arith.select %and3A_687, %sub3A_549, %select_n3A_693 : vector<1x4224xf32>
    %select_n3A_695 = arith.select %and3A_682, %sub3A_512, %select_n3A_694 : vector<1x4224xf32>
    %jit3A_696 = arith.constant 0x7F800000 : f32
    %broadcast_in_dim3A_697 = vector.broadcast %jit3A_696 : f32 to vector<1x4224xf32>
    %select_n3A_698 = arith.select %and3A_650, %select_n3A_695, %broadcast_in_dim3A_697 : vector<1x4224xi1>, vector<1x4224xf32>
    %reduce_min3A_699 = vector.shape_cast %select_n3A_698 : vector<1x4224xf32> to vector<1x1x4224xf32>
    %reduce_min3A_700 = arith.constant dense<0x7F800000> : vector<1xf32>
    %reduce_min3A_701 = vector.multi_reduction <minimumf>, %reduce_min3A_699, %reduce_min3A_700 [1, 2] : vector<1x1x4224xf32> to vector<1xf32>
    %reduce_min3A_702 = vector.shape_cast %reduce_min3A_701 : vector<1xf32> to vector<1x1x1xf32>
    %reduce_min3A_703 = vector.extract %reduce_min3A_702[0, 0, 0] : f32 from vector<1x1x1xf32>
    %eq3A_704 = vector.broadcast %reduce_min3A_703 : f32 to vector<1x4224xf32>
    %eq3A_705 = arith.cmpf oeq, %select_n3A_698, %eq3A_704 : vector<1x4224xf32>
    %jit3A_706 = arith.constant 1073741824 : i32
    %broadcast_in_dim3A_707 = vector.broadcast %jit3A_706 : i32 to vector<1x4224xi32>
    %select_n3A_708 = arith.select %eq3A_705, %iota3A, %broadcast_in_dim3A_707 : vector<1x4224xi1>, vector<1x4224xi32>
    %reduce_min3A_709 = vector.shape_cast %select_n3A_708 : vector<1x4224xi32> to vector<1x1x4224xi32>
    %reduce_min3A_710 = arith.constant dense<2147483647> : vector<1xi32>
    %reduce_min3A_711 = vector.multi_reduction <minsi>, %reduce_min3A_709, %reduce_min3A_710 [1, 2] : vector<1x1x4224xi32> to vector<1xi32>
    %reduce_min3A_712 = vector.shape_cast %reduce_min3A_711 : vector<1xi32> to vector<1x1x1xi32>
    %reduce_min3A_713 = vector.extract %reduce_min3A_712[0, 0, 0] : i32 from vector<1x1x1xi32>
    %lt3A_714 = arith.constant 9.99999993E+36 : f32
    %lt3A_715 = arith.cmpf olt, %reduce_min3A_703, %lt3A_714 : f32
    %and3A_716 = arith.andi %lt3A_675, %lt3A_715 : i1
    %jit3A_717 = arith.constant 0.000000e+00 : f32
    %select_n3A_718 = arith.select %and3A_716, %reduce_min3A_703, %jit3A_717 : f32
    %add3A_719 = arith.addf %add3A_643, %select_n3A_718 : f32
    %eq3A_720 = vector.broadcast %reduce_min3A_713 : i32 to vector<1x4224xi32>
    %eq3A_721 = arith.cmpi eq, %iota3A, %eq3A_720 : vector<1x4224xi32>
    %and3A_722 = vector.broadcast %and3A_716 : i1 to vector<1x4224xi1>
    %and3A_723 = arith.andi %and3A_722, %eq3A_721 : vector<1x4224xi1>
    %not3A_724 = arith.constant dense<true> : vector<1x4224xi1>
    %not3A_725 = arith.xori %and3A_723, %not3A_724 : vector<1x4224xi1>
    %and3A_726 = arith.andi %and3A_650, %not3A_725 : vector<1x4224xi1>
    %and3A_727 = arith.andi %and3A_716, %and3A_682 : i1
    %not3A_728 = arith.constant true
    %not3A_729 = arith.xori %and3A_727, %not3A_728 : i1
    %and3A_730 = arith.andi %and3A_654, %not3A_729 : i1
    %and3A_731 = arith.andi %and3A_716, %and3A_687 : i1
    %not3A_732 = arith.constant true
    %not3A_733 = arith.xori %and3A_731, %not3A_732 : i1
    %and3A_734 = arith.andi %and3A_658, %not3A_733 : i1
    %and3A_735 = arith.andi %and3A_716, %and3A_692 : i1
    %not3A_736 = arith.constant true
    %not3A_737 = arith.xori %and3A_735, %not3A_736 : i1
    %and3A_738 = arith.andi %and3A_662, %not3A_737 : i1
    %jit3A_739 = arith.constant 1.000000e+00 : f32
    %jit3A_740 = arith.constant 0.000000e+00 : f32
    %select_n3A_741 = arith.select %and3A_730, %jit3A_739, %jit3A_740 : f32
    %jit3A_742 = arith.constant 1.000000e+00 : f32
    %jit3A_743 = arith.constant 0.000000e+00 : f32
    %select_n3A_744 = arith.select %and3A_734, %jit3A_742, %jit3A_743 : f32
    %jit3A_745 = arith.constant 1.000000e+00 : f32
    %jit3A_746 = arith.constant 0.000000e+00 : f32
    %select_n3A_747 = arith.select %and3A_738, %jit3A_745, %jit3A_746 : f32
    %add3A_748 = arith.addf %select_n3A_741, %select_n3A_744 : f32
    %add3A_749 = arith.addf %add3A_748, %select_n3A_747 : f32
    %lt3A_750 = arith.constant 2.000000e+00 : f32
    %lt3A_751 = arith.cmpf olt, %lt3A_750, %add3A_749 : f32
    %add3A_752 = arith.addf %select_n3A_741, %select_n3A_744 : f32
    %add3A_753 = arith.addf %add3A_752, %select_n3A_747 : f32
    %sub3A_754 = arith.constant 1.000000e+00 : f32
    %sub3A_755 = arith.subf %select_n3A_741, %sub3A_754 : f32
    %eq3A_756 = arith.constant 2.000000e+00 : f32
    %eq3A_757 = arith.cmpf oeq, %sub3A_755, %eq3A_756 : f32
    %and3A_758 = arith.andi %and3A_730, %eq3A_757 : i1
    %sub3A_759 = arith.constant 1.000000e+00 : f32
    %sub3A_760 = arith.subf %add3A_752, %sub3A_759 : f32
    %eq3A_761 = arith.constant 2.000000e+00 : f32
    %eq3A_762 = arith.cmpf oeq, %sub3A_760, %eq3A_761 : f32
    %and3A_763 = arith.andi %and3A_734, %eq3A_762 : i1
    %sub3A_764 = arith.constant 1.000000e+00 : f32
    %sub3A_765 = arith.subf %add3A_753, %sub3A_764 : f32
    %eq3A_766 = arith.constant 2.000000e+00 : f32
    %eq3A_767 = arith.cmpf oeq, %sub3A_765, %eq3A_766 : f32
    %and3A_768 = arith.andi %and3A_738, %eq3A_767 : i1
    %select_n3A_769 = arith.select %and3A_768, %sub3A_586, %sub3A_512 : vector<1x4224xf32>
    %select_n3A_770 = arith.select %and3A_763, %sub3A_549, %select_n3A_769 : vector<1x4224xf32>
    %select_n3A_771 = arith.select %and3A_758, %sub3A_512, %select_n3A_770 : vector<1x4224xf32>
    %jit3A_772 = arith.constant 0x7F800000 : f32
    %broadcast_in_dim3A_773 = vector.broadcast %jit3A_772 : f32 to vector<1x4224xf32>
    %select_n3A_774 = arith.select %and3A_726, %select_n3A_771, %broadcast_in_dim3A_773 : vector<1x4224xi1>, vector<1x4224xf32>
    %reduce_min3A_775 = vector.shape_cast %select_n3A_774 : vector<1x4224xf32> to vector<1x1x4224xf32>
    %reduce_min3A_776 = arith.constant dense<0x7F800000> : vector<1xf32>
    %reduce_min3A_777 = vector.multi_reduction <minimumf>, %reduce_min3A_775, %reduce_min3A_776 [1, 2] : vector<1x1x4224xf32> to vector<1xf32>
    %reduce_min3A_778 = vector.shape_cast %reduce_min3A_777 : vector<1xf32> to vector<1x1x1xf32>
    %reduce_min3A_779 = vector.extract %reduce_min3A_778[0, 0, 0] : f32 from vector<1x1x1xf32>
    %eq3A_780 = vector.broadcast %reduce_min3A_779 : f32 to vector<1x4224xf32>
    %eq3A_781 = arith.cmpf oeq, %select_n3A_774, %eq3A_780 : vector<1x4224xf32>
    %jit3A_782 = arith.constant 1073741824 : i32
    %broadcast_in_dim3A_783 = vector.broadcast %jit3A_782 : i32 to vector<1x4224xi32>
    %select_n3A_784 = arith.select %eq3A_781, %iota3A, %broadcast_in_dim3A_783 : vector<1x4224xi1>, vector<1x4224xi32>
    %reduce_min3A_785 = vector.shape_cast %select_n3A_784 : vector<1x4224xi32> to vector<1x1x4224xi32>
    %reduce_min3A_786 = arith.constant dense<2147483647> : vector<1xi32>
    %reduce_min3A_787 = vector.multi_reduction <minsi>, %reduce_min3A_785, %reduce_min3A_786 [1, 2] : vector<1x1x4224xi32> to vector<1xi32>
    %reduce_min3A_788 = vector.shape_cast %reduce_min3A_787 : vector<1xi32> to vector<1x1x1xi32>
    %reduce_min3A_789 = vector.extract %reduce_min3A_788[0, 0, 0] : i32 from vector<1x1x1xi32>
    %lt3A_790 = arith.constant 9.99999993E+36 : f32
    %lt3A_791 = arith.cmpf olt, %reduce_min3A_779, %lt3A_790 : f32
    %and3A_792 = arith.andi %lt3A_751, %lt3A_791 : i1
    %jit3A_793 = arith.constant 0.000000e+00 : f32
    %select_n3A_794 = arith.select %and3A_792, %reduce_min3A_779, %jit3A_793 : f32
    %add3A_795 = arith.addf %add3A_719, %select_n3A_794 : f32
    %eq3A_796 = vector.broadcast %reduce_min3A_789 : i32 to vector<1x4224xi32>
    %eq3A_797 = arith.cmpi eq, %iota3A, %eq3A_796 : vector<1x4224xi32>
    %and3A_798 = vector.broadcast %and3A_792 : i1 to vector<1x4224xi1>
    %and3A_799 = arith.andi %and3A_798, %eq3A_797 : vector<1x4224xi1>
    %not3A_800 = arith.constant dense<true> : vector<1x4224xi1>
    %not3A_801 = arith.xori %and3A_799, %not3A_800 : vector<1x4224xi1>
    %and3A_802 = arith.andi %and3A_726, %not3A_801 : vector<1x4224xi1>
    %and3A_803 = arith.andi %and3A_792, %and3A_758 : i1
    %not3A_804 = arith.constant true
    %not3A_805 = arith.xori %and3A_803, %not3A_804 : i1
    %and3A_806 = arith.andi %and3A_730, %not3A_805 : i1
    %and3A_807 = arith.andi %and3A_792, %and3A_763 : i1
    %not3A_808 = arith.constant true
    %not3A_809 = arith.xori %and3A_807, %not3A_808 : i1
    %and3A_810 = arith.andi %and3A_734, %not3A_809 : i1
    %and3A_811 = arith.andi %and3A_792, %and3A_768 : i1
    %not3A_812 = arith.constant true
    %not3A_813 = arith.xori %and3A_811, %not3A_812 : i1
    %and3A_814 = arith.andi %and3A_738, %not3A_813 : i1
    %jit3A_815 = arith.constant 1.000000e+00 : f32
    %jit3A_816 = arith.constant 0.000000e+00 : f32
    %broadcast_in_dim3A_817 = vector.broadcast %jit3A_815 : f32 to vector<1x4224xf32>
    %broadcast_in_dim3A_818 = vector.broadcast %jit3A_816 : f32 to vector<1x4224xf32>
    %select_n3A_819 = arith.select %and3A_802, %broadcast_in_dim3A_817, %broadcast_in_dim3A_818 : vector<1x4224xi1>, vector<1x4224xf32>
    %reduce_sum3A_820 = vector.shape_cast %select_n3A_819 : vector<1x4224xf32> to vector<1x1x4224xf32>
    %reduce_sum3A_821 = arith.constant dense<0.000000e+00> : vector<1xf32>
    %reduce_sum3A_822 = vector.multi_reduction <add>, %reduce_sum3A_820, %reduce_sum3A_821 [1, 2] : vector<1x1x4224xf32> to vector<1xf32>
    %reduce_sum3A_823 = vector.shape_cast %reduce_sum3A_822 : vector<1xf32> to vector<1x1x1xf32>
    %reduce_sum3A_824 = vector.extract %reduce_sum3A_823[0, 0, 0] : f32 from vector<1x1x1xf32>
    %add3A_825 = arith.addf %add3A_795, %reduce_sum3A_824 : f32
    %select_n3A_826 = arith.select %gt3A_25, %add3A_825, %select_n3A_420 : f32
    %select_n3A_827 = arith.select %gt3A_25, %and3A_806, %select_n3A_421 : i1
    %select_n3A_828 = arith.select %gt3A_25, %and3A_810, %select_n3A_422 : i1
    %select_n3A_829 = arith.select %gt3A_25, %and3A_814, %select_n3A_423 : i1
    %jit3A_830 = arith.constant 1.000000e+00 : f32
    %jit3A_831 = arith.constant 0.000000e+00 : f32
    %select_n3A_832 = arith.select %select_n3A_827, %jit3A_830, %jit3A_831 : f32
    %add3A_833 = arith.addf %select_n3A_826, %select_n3A_832 : f32
    %jit3A_834 = arith.constant 1.000000e+00 : f32
    %jit3A_835 = arith.constant 0.000000e+00 : f32
    %select_n3A_836 = arith.select %select_n3A_828, %jit3A_834, %jit3A_835 : f32
    %add3A_837 = arith.addf %add3A_833, %select_n3A_836 : f32
    %jit3A_838 = arith.constant 1.000000e+00 : f32
    %jit3A_839 = arith.constant 0.000000e+00 : f32
    %select_n3A_840 = arith.select %select_n3A_829, %jit3A_838, %jit3A_839 : f32
    %add3A_841 = arith.addf %add3A_837, %select_n3A_840 : f32
    %reshape3A = vector.broadcast %add3A_841 : f32 to vector<1x1xf32>
    %swap3A = arith.constant 0 : index
    %swap3A_842 = arith.constant 0 : index
    %swap3A_843 = vector.load %arg2[%swap3A, %swap3A_842] : memref<1x1xf32, #tpu.memory_space<vmem>>, vector<1x1xf32>
    tpu.vector_store %arg2[%swap3A, %swap3A_842], %reshape3A {strides = array<i32>} : memref<1x1xf32, #tpu.memory_space<vmem>>, vector<1x1xf32>,
    return
  }
}

</mosaic_0001>

<sc_bundles>
// kernel: kernel.5.cloned.1.call-start
scs
__scs_entry_jumppad:
0x0: {  	(pc) =	sbr.rel $0x88, $3  }
0x1: {  	(tag) =	ssettag $0x0;
	lr =	simm.s32 $0x1  }
0x2: {  	[smem:$0x3F9F] =	sst lr;
	_ =	strace $0xD0000000  }
0x3: {  	_ = 	snop  }
0x4: {  	_ = 	snop  }
0x5: {  	_ = 	snop  }
0x6: {  	_ = 	snop  }
0x7: {  	_ = 	snop  }
__scs_overlays_trampoline_lowered:
0x8: {  	[smem:$0x3FAE] =	sst s0  }
0x9: {  	[smem:$0x3FAF] =	sst s1  }
0xa: {  	[smem:$0x3FB0] =	sst s2  }
0xb: {  	[smem:$0x3FB1] =	sst s3  }
0xc: {  	[smem:$0x3FB2] =	sst s4  }
0xd: {  	[smem:$0x3FB3] =	sst s5  }
0xe: {  	[smem:$0x3FB4] =	sst s6  }
0xf: {  	[smem:$0x3FB5] =	sst s7  }
0x10: {  	[smem:$0x3FB6] =	sst s8  }
0x11: {  	[smem:$0x3FB7] =	sst s9;
	s0 =	simm.s32 @!p0 $0x0  }
0x12: {  	s1 =	sld [smem:$0x3F9D];
	s0 =	simm.s32 @p0 $0x1  }
0x13: {  	[smem:$0x3FB8] =	sst s0;
	s0 =	simm.s32 @!p1 $0x0  }
0x14: {  	s2 =	sld [smem:$0x3F9C];
	s0 =	simm.s32 @p1 $0x1  }
0x15: {  	[smem:$0x3FB9] =	sst s0;
	s0 =	simm.s32 @!p2 $0x0  }
0x16: {  	s3 =	sld [smem:$0x3FDB];
	s0 =	simm.s32 @p2 $0x1  }
0x17: {  	s4 =	simm.s32 $0x1BF5;
	[smem:$0x3FBB] =	sst s0  }
0x18: {  	s0 =	sld [smem:$0x3F9E];
	_ =	swait.ge [sflag:s4], $0x0  }
0x19: {  	s7 =	sld [smem:$0x3F9F]  }
0x1a: {  	s8 =	sadd.s32 $0xFFFFE003, lr  }
0x1b: {  	s9 =	sadd.s32 $0xFFFFFEF7, lr;
	s5 =	simm.s32 $0xFFFFFFFF;
	p2 =	slt.u32 s8, $0xFFFFF086  }
0x1c: {  	p1 =	slt.u32 s9, $0xF7A;
	s5 =	simm.s32 @!p2 $0x0  }
0x1d: {  	s5 =	simm.s32 @p1 $0x1;
	p0 =	seq.s32 s7, s2  }
0x1e: {  	s7 =	smul.u32 @!p0 $0xF7A, s2;
	p2 =	seq.s32 @!p0 s5, $0x0  }
0x1f: {  	s9 =	smul.u32 $0xF7A, s1;
	s8 =	simm.s32 @!p0 $0x1BF5;
	p2 =	por !p2, p0  }
0x20: {  	[sflag:s8] =	ssyncset.s32 @!p0 $0xFFFFF086;
	s6 =	sadd.s32 @!p0 s3, s7;
	s7 =	simm.s32 @!p0 $0x108  }
0x21: {  	s3 =	sadd.s32 s3, s9;
	s6 =	sadd.s32 @!p0 $0x88, s6;
	s7 =	simm.s32 @p2 $0x1082  }
0x22: {  	[simem:s7], [sflag:s8] =	dma.local @!p0 [hbm:s6], $0xF7A  }
0x23: {  	s9 =	sor.u32 $0xD0000000, s2;
	s6 =	simm.s32 $0x108;
	_ =	swait.ge @!p0 [sflag:s8], $0x0  }
0x24: {  	s3 =	sadd.s32 $0x88, s3;
	s6 =	simm.s32 @!p1 $0x1082;
	[sflag:s4] =	ssyncset.s32 $0xFFFFF086  }
0x25: {  	[simem:s6], [sflag:s4] =	dma.local [hbm:s3], $0xF7A  }
0x26: {  	[smem:$0x3F9F] =	sst s1;
	(tag) =	ssettag s2;
	_ =	strace s9  }
0x27: {  	s1 =	sld [smem:$0x3FAF]  }
0x28: {  	s2 =	sld [smem:$0x3FB0]  }
0x29: {  	s4 =	sld [smem:$0x3FB2]  }
0x2a: {  	p0 =	seq.s32 s5, $0x0;
	s5 =	sld [smem:$0x3FB3]  }
0x2b: {  	s6 =	sld [smem:$0x3FB4]  }
0x2c: {  	s7 =	sld [smem:$0x3FB5]  }
0x2d: {  	s3 =	simm.s32 $0x108;
	s8 =	sld [smem:$0x3FB6]  }
0x2e: {  	s3 =	simm.s32 @!p0 $0x1082;
	s9 =	sld [smem:$0x3FB7]  }
0x2f: {  	lr =	sadd.s32 s0, s3;
	s0 =	sld [smem:$0x3FAE]  }
0x30: {  	s3 =	sld [smem:$0x3FB1]  }
0x31: {  	[smem:$0x3FBA] =	sst s10  }
0x32: {  	s10 =	sld [smem:$0x3FB8];
	_ =	sdelay $0x3  }
0x33: {  	p0 =	seq.s32 s10, $0x1;
	s10 =	sld [smem:$0x3FBA];
	_ =	sdelay $0x3  }
0x34: {  	[smem:$0x3FBA] =	sst s10  }
0x35: {  	s10 =	sld [smem:$0x3FB9];
	_ =	sdelay $0x3  }
0x36: {  	p1 =	seq.s32 s10, $0x1;
	s10 =	sld [smem:$0x3FBA];
	_ =	sdelay $0x3  }
0x37: {  	[smem:$0x3FBA] =	sst s10  }
0x38: {  	s10 =	sld [smem:$0x3FBB]  }
0x39: {  	_ = 	snop;
	(pc) =	sbr.ind lr, $3  }
0x3a: {  	_ = 	snop  }
0x3b: {  	_ = 	snop  }
0x3c: {  	p2 =	seq.s32 s10, $0x1;
	s10 =	sld [smem:$0x3FBA]  }
0x3d: {  	_ =	shalt  }
0x3e: {  	_ =	shalt  }
0x3f: {  	_ =	shalt  }
0x40: {  	_ =	shalt  }
0x41: {  	_ =	shalt  }
0x42: {  	_ =	shalt  }
0x43: {  	_ =	shalt  }
0x44: {  	_ =	shalt  }
0x45: {  	_ =	shalt  }
0x46: {  	_ =	shalt  }
0x47: {  	_ =	shalt  }
0x48: {  	_ =	shalt  }
0x49: {  	_ =	shalt  }
0x4a: {  	_ =	shalt  }
0x4b: {  	_ =	shalt  }
0x4c: {  	_ =	shalt  }
0x4d: {  	_ =	shalt  }
0x4e: {  	_ =	shalt  }
0x4f: {  	_ =	shalt  }
0x50: {  	_ =	shalt  }
0x51: {  	_ =	shalt  }
0x52: {  	_ =	shalt  }
0x53: {  	_ =	shalt  }
0x54: {  	_ =	shalt  }
0x55: {  	_ =	shalt  }
0x56: {  	_ =	shalt  }
0x57: {  	_ =	shalt  }
0x58: {  	_ =	shalt  }
0x59: {  	_ =	shalt  }
0x5a: {  	_ =	shalt  }
0x5b: {  	_ =	shalt  }
0x5c: {  	_ =	shalt  }
0x5d: {  	_ =	shalt  }
0x5e: {  	_ =	shalt  }
0x5f: {  	_ =	shalt  }
0x60: {  	_ =	shalt  }
0x61: {  	_ =	shalt  }
0x62: {  	_ =	shalt  }
0x63: {  	_ =	shalt  }
0x64: {  	_ =	shalt  }
0x65: {  	_ =	shalt  }
0x66: {  	_ =	shalt  }
0x67: {  	_ =	shalt  }
0x68: {  	_ =	shalt  }
0x69: {  	_ =	shalt  }
0x6a: {  	_ =	shalt  }
0x6b: {  	_ =	shalt  }
0x6c: {  	_ =	shalt  }
0x6d: {  	_ =	shalt  }
0x6e: {  	_ =	shalt  }
0x6f: {  	_ =	shalt  }
0x70: {  	_ =	shalt  }
0x71: {  	_ =	shalt  }
0x72: {  	_ =	shalt  }
0x73: {  	_ =	shalt  }
0x74: {  	_ =	shalt  }
0x75: {  	_ =	shalt  }
0x76: {  	_ =	shalt  }
0x77: {  	_ =	shalt  }
0x78: {  	_ =	shalt  }
0x79: {  	_ =	shalt  }
0x7a: {  	_ =	shalt  }
0x7b: {  	_ =	shalt  }
0x7c: {  	_ =	shalt  }
0x7d: {  	_ =	shalt  }
0x7e: {  	_ =	shalt  }
0x7f: {  	_ =	shalt  }
0x80: {  	_ =	shalt  }
0x81: {  	_ =	shalt  }
0x82: {  	_ =	shalt  }
0x83: {  	_ =	shalt  }
0x84: {  	_ =	shalt  }
0x85: {  	_ =	shalt  }
0x86: {  	_ =	shalt  }
0x87: {  	_ =	shalt  }
.Lfunc_end0:
.L_simem_size_0:
called_computation_lowered:
.L_overlay_start_0:
0x88: {  	s2 =	sld [smem:$0x3FD9]  }
0x89: {  	s3 =	sld [smem:$0x3FFE];
	_ =	sdelay $0x1  }
0x8a: {  	s1 =	srdreg.scid  }
0x8b: {  	s0 =	sand.u32 $0x1, s1  }
0x8c: {  	s16 =	sshll.u32 s0, $0xA;
	s2 =	sadd.s32 s3, s2  }
0x8d: {  	s2 =	sadd.s32 s2, s16  }
0x8e: {  	[smem:$0x3FC6] =	sst s2  }
0x8f: {  	_ = 	snop  }
0x90: {  	(tm) =	ssettm $0x1  }
0x91: {  	s17 =	sld [smem:$0x3FFB];
	_ =	sdelay $0x3  }
0x92: {  	_ =	strace s17  }
0x93: {  	s2 =	sld [smem:$0x3FFC];
	_ =	sdelay $0x3  }
0x94: {  	_ =	strace s2  }
0x95: {  	s2 =	sld [smem:$0x3FFD];
	_ =	sdelay $0x3  }
0x96: {  	_ =	strace s2  }
0x97: {  	_ =	strace $0x8FFFFFFF  }
0x98: {  	s18 =	sld [smem:$0x3FDB];
	_ =	sdelay $0x1  }
0x99: {  	s19 =	simm.s32 $_scs_section_size  }
0x9a: {  	s4 =	simm.s32 $_size__tile_overlayer_lowered;
	s5 =	simm.s32 $_tile_overlayer_lowered  }
0x9b: {  	s22 =	simm.s32 $0x1BFF;
	s21 =	sshll.u32 s5, $0x1;
	s2 =	sadd.s32 s19, s18  }
0x9c: {  	s6 =	simm.s32 $0x0;
	s20 =	sshll.u32 s4, $0x1;
	s4 =	sadd.s32 s21, s2  }
0x9d: {  	[timem:s6], [sflag:s22] =	dma.local [hbm:s4], s20  }
0x9e: {  	_ =	swait.ge [sflag:s22], s20  }
0x9f: {  	s3 =	ssub.s32 $0x0, s20;
	[sflag:s22] =	ssyncset.done $0x0  }
0xa0: {  	[sflag:s22] =	ssyncadd.s32 s3;
	_ =	sdelay $0x1  }
0xa1: {  	s23 =	simm.s32 $0x1B8B  }
0xa2: {  	_ =	swait.ge [sflag:s23], $0x1  }
0xa3: {  	[sflag:s23] =	ssyncset.done $0x0  }
0xa4: {  	s25 =	simm.s32 $0x1B8E;
	s24 =	sld [smem:$0x3FFE];
	[sflag:s23] =	ssyncadd.s32 $0xFFFFFFFF  }
0xa5: {  	s26 =	simm.s32 $execute0_lowered;
	[smem:$0x3FD2] =	sst s25  }
0xa6: {  	s4 =	sshll.u32 s26, $0x1;
	_ =	strace $0x80000046;
	[dreg:$0x1] =	wrdreg $0xFFFFFFFF  }
0xa7: {  	s28 =	simm.s32 $_size_execute0_lowered;
	s2 =	sadd.s32 s2, s4;
	[dreg:$0x0] =	wrdreg $0x0  }
0xa8: {  	s4 =	sshll.u32 s28, $0x1;
	[dreg:$0x2] =	wrdreg s2  }
0xa9: {  	[dreg:$0x3] =	wrdreg s4  }
0xaa: {  	[dreg:$0x4] =	wrdreg $0xC0  }
0xab: {  	_ =	task [dreg:s6], $0x5FFFF  }
0xac: {  	[dreg:$0x1] =	wrdreg $0xFFFFFFFF  }
0xad: {  	[dreg:$0x0] =	wrdreg $0x60  }
0xae: {  	[dreg:$0x2] =	wrdreg s24  }
0xaf: {  	[dreg:$0x3] =	wrdreg $0x77800  }
0xb0: {  	[dreg:$0x4] =	wrdreg $0x78800  }
0xb1: {  	[dreg:$0x5] =	wrdreg $0x9  }
0xb2: {  	_ =	task.clear_ibuf [dreg:s6], $0x6FFFF;
	_ =	strace $0x90000046  }
0xb3: {  	s29 =	simm.s32 $0x9;
	_ =	strace $0x80000048  }
0xb4: {  	_ =	swait.ge [sflag:s29], $0x1  }
0xb5: {  	[sflag:s29] =	ssyncadd.s32 $0xFFFFFFFF  }
0xb6: {  	_ =	strace $0x90000048  }
0xb7: {  	_ =	sfence  }
0xb8: {  	s30 =	sld [smem:$0x0];
	_ =	sdelay $0x2  }
0xb9: {  	s31 =	sshll.u32 s1, $0xD;
	s1 =	sshrl.u32 s1, $0x2  }
0xba: {  	s3 =	sand.u32 $0x4000, s31;
	s1 =	sadd.s32 s1, s30  }
0xbb: {  	s0 =	sor.u32 s3, s0;
	s1 =	sshll.u32 s1, $0x11  }
0xbc: {  	s0 =	sor.u32 s1, s0  }
0xbd: {  	s0 =	sadd.s32 $0x8F2B, s0  }
0xbe: {  	[sflag:s0] =	ssyncadd.remote.s32 $0x1  }
0xbf: {  	_ =	sfence.sel $0xFFFF  }
0xc0: {  	[dreg:$0x0] =	wrdreg $0xFFFFFFFF;
	(pc) =	sbr.abs _section_cstart, $3  }
0xc1: {  	[dreg:$0x1] =	wrdreg $0xFFFFFFFF  }
0xc2: {  	_ =	task.clear_ibuf [dreg:s6], $0x2FFFF;
	_ =	strace $0x9FFFFFFF  }
0xc3: {  	(tm) =	ssettm $0x7FFFFFFF  }
tec
execute0_lowered:
.L_overlay_start_1:
0x0: {  	(tag) =	ssettag $0x1  }
0x1: {  	s0 =	srdreg.scid;
	s1 =	rddreg [dreg:$0x0]  }
0x2: {  	s20 =	stileid.u32;
	s2 =	rddreg [dreg:$0x1]  }
0x3: {  	s3 =	rddreg [dreg:$0x2];
	s28 =	simm.s32 $0x3;
	s29 =	simm.s32 $0x7600  }
0x4: {  	s30 =	simm.s32 $0x40;
	s31 =	simm.s32 $0x7680;
	s0 =	sand.u32 $0x1, s0  }
0x5: {  	s4 =	smax.u32 s20, $0x1;
	s19 =	sadd.s32 $0x800, s1;
	s23 =	sadd.s32 $0x2A00, s1  }
0x6: {  	s24 =	sadd.s32 $0x2E00, s1;
	s25 =	sshll.u32 s20, $0x4;
	s18 =	sshll.u32 s20, $0xA  }
0x7: {  	p0 =	sgt.u32 s20, $0x3;
	p1 =	seq.s32 s20, $0x0;
	s5 =	smul.u32 $0x3000, s0  }
0x8: {  	s6 =	sshll.u32 s4, $0xC;
	s4 =	simm.s32 $0x0;
	s7 =	sshll.u32 s0, $0x9  }
0x9: {  	s8 =	sshll.u32 s0, $0xE;
	s9 =	sshll.u32 s0, $0x2;
	s0 =	ssub.s32 $0x2, s0  }
0xa: {  	s17 =	sadd.s32 s25, s3;
	s26 =	sadd.s32 $0x4C4, s18;
	s25 =	simm.s32 $0x1  }
0xb: {  	[smem:$0x7FF] =	sst s4;
	s13 =	sadd.s32 s7, s1;
	s22 =	sadd.s32 s20, s9  }
0xc: {  	s10 =	sshrl.u32 s0, $0x1;
	_ =	strace $0x80000047;
	[dreg:$0x4] =	wrdreg s19  }
0xd: {  	s5 =	sadd.s32 s6, s5;
	s6 =	sshll.u32 s20, $0x8;
	[dreg:$0x5] =	wrdreg s23  }
0xe: {  	s9 =	smul.u32 $0x630, s22;
	[dreg:$0x6] =	wrdreg s24;
	s0 =	ssub.s32 s0, s10  }
0xf: {  	s13 =	sadd.s32 $0x1600, s13;
	s5 =	sadd.s32 $0xFFFFF000, s5;
	s21 =	sor.u32 s6, s8  }
0x10: {  	s15 =	sadd.s32 s6, s2;
	s16 =	sor.u32 $0x40, s6;
	s19 =	smax.u32 s0, $0x1  }
0x11: {  	s0 =	simm.s32 $0x4480;
	s5 =	sshrl.u32 s5, $0x3;
	s7 =	sshrl.u32 s21, $0x3  }
.Ltmp0:
0x12: {  	s21 =	simm.s32 $0x0;
	s12 =	sadd.s32 s7, s1;
	(pc) =	sbr.rel .LBB2_1-.Ltmp0, $4  }
0x13: {  	s5 =	sadd.s32 s5, s1;
	s1 =	sadd.s32 s9, s1;
	s9 =	sadd.s32 $0x1A00, s12  }
0x14: {  	s10 =	sadd.s32 $0x1C00, s12;
	s11 =	sadd.s32 $0x1E00, s12;
	s12 =	sadd.s32 $0x2000, s12  }
0x15: {  	s14 =	sadd.s32 $0xA00, s5;
	s1 =	sadd.s32 $0x3600, s1;
	s5 =	sshrl.u32 s26, $0x2  }
0x16: {  	v0 =	vimm.s32 $0x0;
	s26 =	sand.u32 $0xF80, s6;
	[dreg:$0x7] =	wrdreg s1;
	s1 =	simm.s32 $0x2  }
.LBB2_10:
0x17: {  	s21 =	sadd.s32 $0x1, s21  }
0x18: {  	p2 =	sne.s32 s21, s19  }
.Ltmp1:
0x19: {  	_ = 	snop;
	(pc) =	sbr.rel @!p2 .LBB2_11-.Ltmp1, $1  }
0x1a: {  	_ =	sdelay $0x3  }
.LBB2_1:
0x1b: {  	s7 =	rddreg [dreg:$0x5]  }
0x1c: {  	[tilespmem:s4], [sflag:$0x1] =	stream.linear.gather [hbm4b:s7+s4], $0x1080, $0x38;
	[tilespmem:$0x7890] =	vst v63  }
0x1d: {  	s20 =	simm.s32 $0x1080  }
0x1e: {  	[tilespmem:s20], [sflag:$0x1] =	stream.linear.gather [hbm4b:s9+s4], $0x100, $0x38;
	[tilespmem:$0x7890] =	vst v63  }
0x1f: {  	s22 =	simm.s32 $0x1180  }
0x20: {  	[tilespmem:s22], [sflag:$0x1] =	stream.linear.gather [hbm4b:s10+s4], $0x100, $0x38;
	[tilespmem:$0x7890] =	vst v63  }
0x21: {  	s23 =	simm.s32 $0x1280  }
0x22: {  	[tilespmem:s23], [sflag:$0x1] =	stream.linear.gather [hbm4b:s11+s4], $0x100, $0x38;
	[tilespmem:$0x7890] =	vst v63  }
0x23: {  	s24 =	simm.s32 $0x1380  }
0x24: {  	[tilespmem:s24], [sflag:$0x1] =	stream.linear.gather [hbm4b:s12+s4], $0x100, $0x38;
	[tilespmem:$0x7890] =	vst v63  }
0x25: {  	s18 =	simm.s32 @!p0 $0x0;
	s7 =	rddreg [dreg:$0x4];
	s20 =	simm.s32 @!p0 $0x1480  }
0x26: {  	[tilespmem:s20], [sflag:$0x2] =	stream.linear.gather @!p0 [hbm4b:s7+s18], $0x1000, $0x38;
	[tilespmem:$0x7890] =	vst v63  }
0x27: {  	s20 =	simm.s32 @!p0 $0x2480  }
0x28: {  	[tilespmem:s20], [sflag:$0x2] =	stream.linear.gather @!p0 [hbm4b:s13+s18], $0x1000, $0x38;
	[tilespmem:$0x7890] =	vst v63  }
0x29: {  	s20 =	simm.s32 @!p0 $0x3480  }
0x2a: {  	[tilespmem:s20], [sflag:$0x2] =	stream.linear.gather @!p0 [hbm4b:s14+s18], $0x1000, $0x38;
	[tilespmem:$0x7890] =	vst v63  }
0x2b: {  	s7 =	rddreg [dreg:$0x6];
	s20 =	simm.s32 @!p0 $0x4480  }
0x2c: {  	[tilespmem:s20], [sflag:$0x2] =	stream.linear.gather @!p0 [hbm4b:s7+s18], $0x3180, $0x38;
	[tilespmem:$0x7890] =	vst v63  }
0x2d: {  	_ =	swait.ge [sflag:s25], $0x1080  }
0x2e: {  	[sflag:s25] =	ssyncset.done $0x0  }
0x2f: {  	[sflag:s25] =	ssyncadd.s32 $0xFFFFEF80  }
0x30: {  	_ =	swait.ge [sflag:s25], $0x100  }
0x31: {  	[sflag:s25] =	ssyncset.done $0x0  }
0x32: {  	[sflag:s25] =	ssyncadd.s32 $0xFFFFFF00  }
0x33: {  	_ =	swait.ge [sflag:s25], $0x100  }
0x34: {  	[sflag:s25] =	ssyncset.done $0x0  }
0x35: {  	[sflag:s25] =	ssyncadd.s32 $0xFFFFFF00  }
0x36: {  	_ =	swait.ge [sflag:s25], $0x100  }
0x37: {  	[sflag:s25] =	ssyncset.done $0x0  }
0x38: {  	[sflag:s25] =	ssyncadd.s32 $0xFFFFFF00  }
0x39: {  	_ =	swait.ge [sflag:s25], $0x100  }
0x3a: {  	[sflag:s25] =	ssyncset.done $0x0  }
0x3b: {  	v1 =	vimm.s32 $0x0;
	s18 =	simm.s32 $0x0;
	[sflag:s25] =	ssyncadd.s32 $0xFFFFFF00  }
.LBB2_2:
0x3c: {  	s20 =	sshll.u32 s18, $0x4  }
0x3d: {  	s22 =	sor.u32 s6, s20;
	s23 =	sand.u32 $0xFF0, s20;
	v4 =	vld [tilespmem:s20+$0x1080]  }
0x3e: {  	v2 =	vld [tilespmem:s22+$0x40];
	s23 =	sor.u32 s26, s23  }
0x3f: {  	s20 =	sand.u32 $0xF0, s20;
	v3 =	vld [tilespmem:s23+$0x0]  }
0x40: {  	v6 =	vld [tilespmem:s20+$0x1180]  }
0x41: {  	v5 =	vld [tilespmem:s23+$0x80]  }
0x42: {  	v7 =	vld [tilespmem:s22+$0x3F]  }
0x43: {  	v8 =	vld [tilespmem:s20+$0x1280]  }
0x44: {  	v62 =	vld [tilespmem:s22+$0x41];
	v3 =	vor.u32 v3, v4  }
0x45: {  	v9 =	vld [tilespmem:s20+$0x1380];
	vm0 =	vlt.s32 v2, v3  }
0x46: {  	v5 =	vor.u32 v5, v6;
	v3 =	vsel vm0, v2, v3  }
0x47: {  	vm0 =	vlt.s32 v3, v5  }
0x48: {  	v63 =	vor.u32 v7, v8;
	v3 =	vsel vm0, v3, v5  }
0x49: {  	vm0 =	vlt.s32 v3, v63  }
0x4a: {  	v4 =	vor.u32 v62, v9;
	v3 =	vsel vm0, v3, v63  }
0x4b: {  	vm0 =	vlt.s32 v3, v4  }
0x4c: {  	v3 =	vsel vm0, v3, v4  }
0x4d: {  	v3 =	vadd.s32 $0x40, v3;
	_ =	sdelay $0x4  }
0x4e: {  	v3 =	vld.idx.msk [tilespmem:v3+s4+$0x0], $0xffff  }
0x4f: {  	s18 =	sadd.s32 $0x1, s18  }
0x50: {  	p2 =	sne.s32 s18, $0x10  }
.Ltmp2:
0x51: {  	_ = 	snop;
	(pc) =	sbr.rel @p2 .LBB2_2-.Ltmp2, $4  }
0x52: {  	_ = 	snop  }
0x53: {  	vm15 =	vne.s32 v3, v2  }
0x54: {  	v2 =	vsel vm15, $0x1, v0  }
0x55: {  	s20 =	simm.s32 $0xF0;
	[tilespmem:s22+$0x40] =	vst v3;
	s22 =	simm.s32 $0x1170;
	v1 =	vor.u32 v2, v1  }
0x56: {  	s18 =	sadd.s32 $0xF0, s6  }
0x57: {  	v2 =	vld [tilespmem:s5+$0xFFFFFFFF];
	s23 =	sand.u32 $0x70, s20;
	s18 =	sand.u32 $0xF80, s18  }
0x58: {  	v3 =	vld [tilespmem:s22+$0x0];
	s18 =	sor.u32 s23, s18  }
0x59: {  	s24 =	sand.u32 $0xF0, s20;
	v4 =	vld [tilespmem:s18+$0x0]  }
0x5a: {  	v6 =	vld [tilespmem:s24+$0x1180]  }
0x5b: {  	v5 =	vld [tilespmem:s18+$0x80]  }
0x5c: {  	v7 =	vld [tilespmem:s5+$0xFFFFFFFE]  }
0x5d: {  	v8 =	vld [tilespmem:s24+$0x1280]  }
0x5e: {  	v9 =	vld [tilespmem:s24+$0x1380];
	v3 =	vor.u32 v4, v3  }
0x5f: {  	v4 =	vld [tilespmem:s5+$0x0];
	vm0 =	vlt.s32 v2, v3  }
0x60: {  	v5 =	vor.u32 v5, v6;
	v3 =	vsel vm0, v2, v3  }
0x61: {  	vm0 =	vlt.s32 v3, v5  }
0x62: {  	v3 =	vsel vm0, v3, v5;
	v5 =	vor.u32 v7, v8  }
0x63: {  	vm0 =	vlt.s32 v3, v5  }
0x64: {  	v4 =	vor.u32 v4, v9;
	v3 =	vsel vm0, v3, v5  }
0x65: {  	vm0 =	vlt.s32 v3, v4  }
0x66: {  	v3 =	vsel vm0, v3, v4  }
0x67: {  	v3 =	vadd.s32 $0x40, v3;
	_ =	sdelay $0x4  }
0x68: {  	v3 =	vld.idx.msk [tilespmem:v3+s4+$0x0], $0xffff  }
0x69: {  	s20 =	smov.u32 s5  }
0x6a: {  	s24 =	smov.u32 s5;
	s23 =	simm.s32 $0xE0;
	s18 =	simm.s32 $0xD0  }
.LBB2_4:
0x6b: {  	p2 =	sne.s32 s18, $0x0  }
0x6c: {  	s7 =	sadd.s32 s23, s6;
	s20 =	sadd.s32 $0xFFFFFFF0, s20  }
0x6d: {  	s8 =	sand.u32 $0x70, s23;
	s22 =	sadd.s32 $0xFFFFFFF0, s22;
	s7 =	sand.u32 $0xF80, s7;
	vm0 =	vne.s32 v3, v2;
	[tilespmem:s24+$0xFFFFFFFF] =	vst v3;
	v2 =	vld [tilespmem:s20+$0xFFFFFFFF]  }
0x6e: {  	s7 =	sor.u32 s8, s7;
	v4 =	vsel vm0, $0x1, v0;
	s24 =	smov.u32 s20;
	v3 =	vld [tilespmem:s22+$0x0]  }
0x6f: {  	v1 =	vor.u32 v4, v1;
	v5 =	vld [tilespmem:s7+$0x0]  }
0x70: {  	v4 =	vld [tilespmem:s7+$0x80];
	s7 =	sand.u32 $0xF0, s23;
	s23 =	smov.u32 s18  }
0x71: {  	v6 =	vld [tilespmem:s7+$0x1180]  }
0x72: {  	v7 =	vld [tilespmem:s20+$0xFFFFFFFE]  }
0x73: {  	v8 =	vld [tilespmem:s7+$0x1280]  }
0x74: {  	v3 =	vor.u32 v5, v3;
	v5 =	vld [tilespmem:s20+$0x0]  }
0x75: {  	vm0 =	vlt.s32 v2, v3;
	v9 =	vld [tilespmem:s7+$0x1380]  }
0x76: {  	v3 =	vsel vm0, v2, v3;
	v4 =	vor.u32 v4, v6  }
0x77: {  	vm0 =	vlt.s32 v3, v4  }
0x78: {  	v3 =	vsel vm0, v3, v4;
	v4 =	vor.u32 v7, v8  }
0x79: {  	vm0 =	vlt.s32 v3, v4  }
0x7a: {  	v3 =	vsel vm0, v3, v4;
	v4 =	vor.u32 v5, v9  }
0x7b: {  	vm0 =	vlt.s32 v3, v4  }
0x7c: {  	v3 =	vsel vm0, v3, v4  }
0x7d: {  	v3 =	vadd.s32 $0x40, v3;
	_ =	sdelay $0x3  }
.Ltmp3:
0x7e: {  	(pc) =	sbr.rel @p2 .LBB2_4-.Ltmp3, $2  }
0x7f: {  	v3 =	vld.idx.msk [tilespmem:v3+s4+$0x0], $0xffff;
	_ =	sdelay $0x2  }
0x80: {  	s18 =	sadd.s32 $0xFFFFFFF0, s18  }
0x81: {  	s7 =	sadd.s32 $0xFFFFFFF0, s20;
	s8 =	sadd.s32 s23, s6  }
0x82: {  	s18 =	sand.u32 $0x70, s23;
	s22 =	sadd.s32 $0xFFFFFFF0, s22;
	v4 =	vld [tilespmem:s7+$0xFFFFFFFF];
	s8 =	sand.u32 $0xF80, s8;
	[tilespmem:s24+$0xFFFFFFFF] =	vst v3  }
0x83: {  	s8 =	sor.u32 s18, s8;
	v5 =	vld [tilespmem:s22+$0x0]  }
0x84: {  	s23 =	sand.u32 $0xF0, s23;
	v6 =	vld [tilespmem:s8+$0x0]  }
0x85: {  	v8 =	vld [tilespmem:s23+$0x1180]  }
0x86: {  	v7 =	vld [tilespmem:s8+$0x80]  }
0x87: {  	v9 =	vld [tilespmem:s7+$0xFFFFFFFE]  }
0x88: {  	v10 =	vld [tilespmem:s23+$0x1280]  }
0x89: {  	v53 =	vld [tilespmem:s7+$0x0];
	v5 =	vor.u32 v6, v5  }
0x8a: {  	v11 =	vld [tilespmem:s23+$0x1380];
	vm0 =	vlt.s32 v4, v5  }
0x8b: {  	v7 =	vor.u32 v7, v8;
	v5 =	vsel vm0, v4, v5  }
0x8c: {  	vm0 =	vlt.s32 v5, v7  }
0x8d: {  	v54 =	vor.u32 v9, v10;
	v5 =	vsel vm0, v5, v7  }
0x8e: {  	vm0 =	vlt.s32 v5, v54  }
0x8f: {  	v6 =	vor.u32 v53, v11;
	v5 =	vsel vm0, v5, v54  }
0x90: {  	vm0 =	vlt.s32 v5, v6  }
0x91: {  	v5 =	vsel vm0, v5, v6  }
0x92: {  	v5 =	vadd.s32 $0x40, v5;
	_ =	sdelay $0x4  }
0x93: {  	v5 =	vld.idx.msk [tilespmem:v5+s4+$0x0], $0xffff;
	_ =	sdelay $0x3  }
0x94: {  	vm14 =	vne.s32 v3, v2  }
0x95: {  	v2 =	vsel vm14, $0x1, v0;
	vm15 =	vne.s32 v5, v4  }
0x96: {  	v1 =	vor.u32 v2, v1;
	v2 =	vsel vm15, $0x1, v0  }
0x97: {  	[tilespmem:s7+$0xFFFFFFFF] =	vst v5;
	v1 =	vor.u32 v2, v1  }
0x98: {  	[tilespmem:$0x7600] =	vst v1  }
0x99: {  	[spmem:s15] =	stream.linear.scatter [tilespmem:s16], [sflag:$0x3], $0x100, $0x38;
	[tilespmem:$0x7890] =	vst v63  }
0x9a: {  	_ =	swait.ge [sflag:s28], $0x100  }
0x9b: {  	[sflag:s28] =	ssyncset.done $0x0  }
0x9c: {  	[sflag:s28] =	ssyncadd.s32 $0xFFFFFF00  }
0x9d: {  	[spmem:s17] =	stream.linear.scatter [tilespmem:s29], [sflag:$0x3], $0x10, $0x38;
	[tilespmem:$0x7890] =	vst v63  }
0x9e: {  	_ =	swait.ge [sflag:s28], $0x10  }
0x9f: {  	[sflag:s28] =	ssyncset.done $0x0  }
0xa0: {  	[sflag:s28] =	ssyncadd.s32 $0xFFFFFFF0  }
0xa1: {  	[bflag:$0x0] =	sbarrier.arrive $0xFFFF  }
0xa2: {  	[tilespmem:s30], [sflag:$0x3] =	stream.linear.gather [spmem:s2], $0x1000, $0x38;
	[tilespmem:$0x7890] =	vst v63  }
0xa3: {  	_ =	swait.ge [sflag:s28], $0x1000  }
0xa4: {  	[sflag:s28] =	ssyncset.done $0x0  }
0xa5: {  	[sflag:s28] =	ssyncadd.s32 $0xFFFFF000  }
0xa6: {  	[tilespmem:s31], [sflag:$0x3] =	stream.linear.gather [spmem:s3], $0x100, $0x38;
	[tilespmem:$0x7890] =	vst v63  }
0xa7: {  	_ =	swait.ge [sflag:s28], $0x100  }
0xa8: {  	[sflag:s28] =	ssyncset.done $0x0  }
0xa9: {  	[sflag:s28] =	ssyncadd.s32 $0xFFFFFF00  }
0xaa: {  	v1 =	vld [tilespmem:$0x7680]  }
0xab: {  	v2 =	vld [tilespmem:$0x7690]  }
0xac: {  	v3 =	vld [tilespmem:$0x76A0]  }
0xad: {  	v55 =	vld [tilespmem:$0x76B0]  }
0xae: {  	v56 =	vld [tilespmem:$0x76C0]  }
0xaf: {  	v57 =	vld [tilespmem:$0x76D0]  }
0xb0: {  	v1 =	vor.u32 v1, v2;
	v2 =	vld [tilespmem:$0x76E0]  }
0xb1: {  	v1 =	vor.u32 v3, v1;
	v3 =	vld [tilespmem:$0x76F0]  }
0xb2: {  	v58 =	vld [tilespmem:$0x7700];
	v1 =	vor.u32 v55, v1  }
0xb3: {  	v59 =	vld [tilespmem:$0x7710];
	v1 =	vor.u32 v56, v1  }
0xb4: {  	v60 =	vld [tilespmem:$0x7720];
	v1 =	vor.u32 v57, v1  }
0xb5: {  	v1 =	vor.u32 v2, v1;
	v2 =	vld [tilespmem:$0x7730]  }
0xb6: {  	v1 =	vor.u32 v3, v1;
	v3 =	vld [tilespmem:$0x7740]  }
0xb7: {  	v61 =	vld [tilespmem:$0x7750];
	v1 =	vor.u32 v58, v1  }
0xb8: {  	v62 =	vld [tilespmem:$0x7760];
	v1 =	vor.u32 v59, v1  }
0xb9: {  	v63 =	vld [tilespmem:$0x7770];
	v1 =	vor.u32 v60, v1  }
0xba: {  	v1 =	vor.u32 v2, v1  }
0xbb: {  	v1 =	vor.u32 v3, v1  }
0xbc: {  	v1 =	vor.u32 v61, v1  }
0xbd: {  	v1 =	vor.u32 v62, v1  }
0xbe: {  	v1 =	vor.u32 v63, v1  }
0xbf: {  	[bflag:$0x0] =	sbarrier.arrive $0xFFFF;
	v1 =	vxor.u32 $0x80000000, v1  }
0xc0: {  	(xrf0) =	vmax.scan.msk.u32 $0xffff, v1;
	_ =	sdelay $0x5  }
0xc1: {  	v1, _, _ =	vpop (xrf0)  }
0xc2: {  	(v2sf) =	vpush v1, $0xF;
	_ =	sdelay $0xe  }
0xc3: {  	s24 =	spop (v2sf)  }
0xc4: {  	p2 =	sgt.u32 s24, $0x80000000  }
.Ltmp4:
0xc5: {  	_ = 	snop;
	(pc) =	sbr.rel @p2 .LBB2_2-.Ltmp4, $2  }
0xc6: {  	_ =	sdelay $0x2  }
0xc7: {  	s18 =	simm.s32 $0x0;
	v1 =	vimm.s32 $0x0  }
.Ltmp5:
0xc8: {  	(pc) =	sbr.rel @p0 .LBB2_10-.Ltmp5, $1  }
0xc9: {  	_ =	sdelay $0x3  }
0xca: {  	_ =	swait.ge [sflag:s1], $0x1000  }
0xcb: {  	[sflag:s1] =	ssyncset.done $0x0  }
0xcc: {  	[sflag:s1] =	ssyncadd.s32 $0xFFFFF000  }
0xcd: {  	_ =	swait.ge [sflag:s1], $0x1000  }
0xce: {  	[sflag:s1] =	ssyncset.done $0x0  }
0xcf: {  	[sflag:s1] =	ssyncadd.s32 $0xFFFFF000  }
0xd0: {  	_ =	swait.ge [sflag:s1], $0x1000  }
0xd1: {  	[sflag:s1] =	ssyncset.done $0x0  }
0xd2: {  	[sflag:s1] =	ssyncadd.s32 $0xFFFFF000  }
0xd3: {  	_ =	swait.ge [sflag:s1], $0x3180  }
0xd4: {  	[sflag:s1] =	ssyncset.done $0x0  }
0xd5: {  	s18 =	simm.s32 $0x0;
	[sflag:s1] =	ssyncadd.s32 $0xFFFFCE80  }
.LBB2_8:
0xd6: {  	s7 =	sshra.s32 s18, $0x2  }
0xd7: {  	v1 =	vld [tilespmem:s7+$0x40]  }
0xd8: {  	v2 =	vld [tilespmem:s7+$0x2480]  }
0xd9: {  	v3 =	vld [tilespmem:s7+$0x1480];
	_ =	sdelay $0x3  }
0xda: {  	v2 =	vand.u32 $0x10, v2  }
0xdb: {  	v1 =	vadd.s32 $0x1, v1;
	vm0 =	veq.s32 v2, $0x0;
	v2 =	vmul.u32 $0x1080, v3  }
0xdc: {  	v3 =	vld [tilespmem:s7+$0x3480];
	v1 =	vsel vm0, $0x0, v1  }
0xdd: {  	v1 =	vadd.s32 v2, v1;
	_ =	sdelay $0x3  }
0xde: {  	v2 =	vpsel p1, $0x3F800000, v3  }
0xdf: {  	[tilespmem:v1+s0+$0x0] =	vst.idx.add.f32.msk $0xffff, v2  }
0xe0: {  	v1 =	vld [tilespmem:s7+$0x50]  }
0xe1: {  	v2 =	vld [tilespmem:s7+$0x2490]  }
0xe2: {  	v3 =	vld [tilespmem:s7+$0x1490];
	_ =	sdelay $0x3  }
0xe3: {  	v2 =	vand.u32 $0x10, v2  }
0xe4: {  	v1 =	vadd.s32 $0x1, v1;
	vm15 =	veq.s32 v2, $0x0;
	v2 =	vmul.u32 $0x1080, v3  }
0xe5: {  	v3 =	vld [tilespmem:s7+$0x3490];
	v1 =	vsel vm15, $0x0, v1  }
0xe6: {  	p2 =	sne.s32 s18, $0x3F80;
	v1 =	vadd.s32 v2, v1  }
.Ltmp6:
0xe7: {  	_ = 	snop;
	(pc) =	sbr.rel @p2 .LBB2_8-.Ltmp6, $3  }
0xe8: {  	_ =	sdelay $0x1  }
0xe9: {  	v2 =	vpsel p1, $0x3F800000, v3  }
0xea: {  	s18 =	sadd.s32 $0x80, s18;
	[tilespmem:v1+s0+$0x0] =	vst.idx.add.f32.msk $0xffff, v2  }
.Ltmp7:
0xeb: {  	s7 =	rddreg [dreg:$0x7];
	(pc) =	sbr.rel .LBB2_10-.Ltmp7, $4  }
0xec: {  	[hbm4b:s7+s4] =	stream.linear.scatter [tilespmem:s0], [sflag:$0x3], $0x3180, $0x38;
	[tilespmem:$0x7890] =	vst v63  }
0xed: {  	_ =	swait.ge [sflag:s28], $0x3180  }
0xee: {  	[sflag:s28] =	ssyncset.done $0x0  }
0xef: {  	[sflag:s28] =	ssyncadd.s32 $0xFFFFCE80  }
.LBB2_11:
0xf0: {  	_ =	sfence.sel $0x180000  }
0xf1: {  	[bflag:$0x0] =	sbarrier.arrive $0xFFFF  }
0xf2: {  	_ =	strace $0x90000047  }
0xf3: {  	s0 =	stileid.u32;
	[bflag:$0x2] =	sbarrier.arrive $0xFFFF  }
0xf4: {  	p0 =	sne.s32 s0, $0x0;
	s0 =	rddreg [dreg:$0x3]  }
0xf5: {  	s0 =	sadd.s32 @!p0 $0x100000, s0  }
0xf6: {  	[sflag:s0] =	ssyncadd.tile.s32 @!p0 $0x1;
	_ =	shalt  }
.Lfunc_end2:
_tile_overlayer_lowered:
.L_overlay_start_2:
0xf7: {  	(tag) =	ssettag $0x2  }
0xf8: {  	s0 =	rddreg [dreg:$0x0];
	s2 =	stileid.u32  }
0xf9: {  	s1 =	rddreg [dreg:$0x1];
	p0 =	sne.s32 s2, $0x0  }
0xfa: {  	s3 =	rddreg [dreg:$0x2];
	[bflag:$0x3] =	sbarrier.arrive $0xFFFF;
	s2 =	simm.s32 @!p0 $0x1C03  }
0xfb: {  	[timem:s3], [sflag:s2] =	dma.local @!p0 [hbm:s0], s1  }
0xfc: {  	s0 =	simm.s32 @!p0 $0x3  }
0xfd: {  	_ =	swait.ge @!p0 [sflag:s0], s1  }
0xfe: {  	s1 =	ssub.s32 @!p0 $0x0, s1;
	[sflag:s0] =	ssyncset.done @!p0 $0x0  }
0xff: {  	[sflag:s0] =	ssyncadd.s32 @!p0 s1  }
0x100: {  	[bflag:$0x3] =	sbarrier.arrive $0xFFFF  }
0x101: {  	_ =	shalt  }

</sc_bundles>
